<compile_context>
chip_gen: v7x
topology: tpu7x:2x2x1
jax: 0.10.2.dev20260603
libtpu: 0.0.44.dev20260713+nightly
codegen_flags: <defaults>
</compile_context>

<pallas_src>
import jax
import jax.numpy as jnp
from jax import lax
from jax.experimental import pallas as pl
from jax.experimental.pallas import tpu as pltpu
from jax.experimental.pallas import tpu_sc as plsc

VOCAB = 100000
DIM = 128
BATCH = 1024
SEQ = 200

NC = 2
NS = 16
NW = NC * NS
LANES = 16

N_ROWS = BATCH * SEQ
CHUNK = SEQ
CHUNKS_PER_W = BATCH // NW
ROWS_PER_W = N_ROWS // NW
G1 = 104
G2 = CHUNK - G1
NBUF = 4


def _positional_encoding(maxlen, dim_model):
    positions = jnp.arange(0, maxlen, dtype=jnp.float32).reshape(-1, 1)
    division_term = jnp.power(
        10000.0, jnp.arange(0, dim_model, 2, dtype=jnp.float32) / dim_model)
    pe = jnp.zeros((maxlen, dim_model), dtype=jnp.float32)
    pe = pe.at[:, 0::2].set(jnp.sin(positions / division_term))
    pe = pe.at[:, 1::2].set(jnp.cos(positions / division_term))
    return pe


def _sc_body(idx_hbm, pe_hbm, table_hbm, out_hbm, idx_v, pe_v,
             b0, b1, b2, b3, g0, g1, g2, g3, o0, o1, o2, o3):
    wid = lax.axis_index("s") * NC + lax.axis_index("c")
    row_base = wid * ROWS_PER_W

    bufs = (b0, b1, b2, b3)
    gsems = (g0, g1, g2, g3)
    osems = (o0, o1, o2, o3)

    pltpu.sync_copy(idx_hbm.at[pl.ds(row_base, ROWS_PER_W)], idx_v)
    pltpu.sync_copy(pe_hbm, pe_v)

    def gather_descs(i, b):
        r0 = i * CHUNK
        return (
            pltpu.make_async_copy(
                table_hbm.at[idx_v.at[pl.ds(r0, G1)]],
                bufs[b].at[pl.ds(0, G1)], gsems[b]),
            pltpu.make_async_copy(
                table_hbm.at[idx_v.at[pl.ds(r0 + G1, G2)]],
                bufs[b].at[pl.ds(G1, G2)], gsems[b]),
        )

    def gather_start(i, b):
        d1, d2 = gather_descs(i, b)
        d1.start()
        d2.start()

    def gather_wait(i, b):
        d1, d2 = gather_descs(i, b)
        d1.wait()
        d2.wait()

    def out_desc(i, b):
        return pltpu.make_async_copy(
            bufs[b], out_hbm.at[pl.ds(row_base + i * CHUNK, CHUNK)], osems[b])

    def add_pe(b):
        buf = bufs[b]

        def vec_body(r, carry):
            ngrp = DIM // (2 * LANES)
            pks = [pe_v[pl.ds(r * (DIM // 2) + j * LANES, LANES)]
                   for j in range(ngrp)]
            halves = []
            for j in range(ngrp):
                pb16 = plsc.bitcast(pks[j], jnp.bfloat16)
                halves.append(plsc.unpack(
                    pb16, format=plsc.PackFormat.INTERLEAVED,
                    preferred_element_type=jnp.float32))
            for j in range(ngrp):
                lo, hi = halves[j]
                plsc.addupdate(buf.at[r, pl.ds(j * 2 * LANES, LANES)], lo)
                plsc.addupdate(buf.at[r, pl.ds(j * 2 * LANES + LANES, LANES)], hi)
            return carry

        lax.fori_loop(0, CHUNK, vec_body, 0, unroll=False)

    def step(i, b, wait_out=True, prefetch=True):
        nb = (b + 2) % NBUF
        gather_wait(i, b)
        if wait_out:
            out_desc(i - 2, nb).wait()
        if prefetch:
            gather_start(i + 2, nb)
        add_pe(b)
        out_desc(i, b).start()

    gather_start(0, 0)
    gather_start(1, 1)
    step(0, 0, wait_out=False)
    step(1, 1, wait_out=False)

    def group_body(g, carry):
        i0 = 2 + g * NBUF
        step(i0, 2)
        step(i0 + 1, 3)
        step(i0 + 2, 0)
        step(i0 + 3, 1)
        return carry

    lax.fori_loop(0, (CHUNKS_PER_W - 4) // NBUF, group_body, 0, unroll=False)

    step(CHUNKS_PER_W - 2, 2, prefetch=False)
    step(CHUNKS_PER_W - 1, 3, prefetch=False)
    out_desc(CHUNKS_PER_W - 2, 2).wait()
    out_desc(CHUNKS_PER_W - 1, 3).wait()


@jax.jit
def _pos_emb(x1, pe, table):
    mesh = plsc.VectorSubcoreMesh(core_axis_name="c", subcore_axis_name="s")
    return pl.kernel(
        _sc_body,
        out_type=jax.ShapeDtypeStruct((N_ROWS, DIM), jnp.float32),
        mesh=mesh,
        compiler_params=pltpu.CompilerParams(needs_layout_passes=False),
        scratch_types=[
            pltpu.VMEM((ROWS_PER_W,), jnp.int32),
            pltpu.VMEM((SEQ * DIM // 2,), jnp.float32),
        ] + [pltpu.VMEM((CHUNK, DIM), jnp.float32)] * NBUF
          + [pltpu.SemaphoreType.DMA] * (2 * NBUF),
    )(x1, pe, table)


def kernel(x_input, token_emb):
    pe = _positional_encoding(SEQ, DIM)
    pe3 = pe.reshape(SEQ, DIM // 32, 2, 16).astype(jnp.bfloat16)
    a_bits = pe3[:, :, 0, :].view(jnp.uint16).astype(jnp.uint32)
    b_bits = pe3[:, :, 1, :].view(jnp.uint16).astype(jnp.uint32)
    packed = (b_bits << 16) | a_bits
    pe_bf = packed.reshape(SEQ * DIM // 2).view(jnp.float32)
    x1 = x_input.astype(jnp.int32).reshape(N_ROWS)
    out = _pos_emb(x1, pe_bf, token_emb)
    return out.reshape(BATCH, SEQ, DIM)

# --- scband reference (transcript-rebuilt; emitter-appended) ---
"""Pipeline reference for scband-position-embedding-87840671138439 (READ-ONLY COPY).

The authoritative reference and input builder live on the scoring server;
editing this copy changes nothing except your own understanding.
"""

import jax, jax.numpy as jnp
import numpy as np

VOCAB = 100000
DIM = 128

def positional_encoding(maxlen, dim_model):
    positions = jnp.arange(0, maxlen, dtype=jnp.float32).reshape(-1, 1)
    division_term = jnp.power(10000.0, jnp.arange(0, dim_model, 2, dtype=jnp.float32) / dim_model)
    pe = jnp.zeros((maxlen, dim_model), dtype=jnp.float32)
    pe = pe.at[:, 0::2].set(jnp.sin(positions / division_term))
    pe = pe.at[:, 1::2].set(jnp.cos(positions / division_term))
    return pe

def setup_inputs(seed: int = 0) -> dict:
    key = jax.random.key(seed)
    k1, k2 = jax.random.split(key)
    x_input = jax.random.randint(k1, (1024, 200), 0, VOCAB, dtype=jnp.int64 if jax.config.jax_enable_x64 else jnp.int32)
    token_emb = jax.random.normal(k2, (VOCAB, DIM), dtype=jnp.float32)
    return {"x_input": x_input, "token_emb": token_emb}

def reference(x_input, token_emb):
    maxlen = x_input.shape[1]
    positions = positional_encoding(maxlen, DIM)
    emb = jnp.take(token_emb, x_input, axis=0)
    return emb + positions

if __name__ == "__main__":
    import jax
    _d = setup_inputs()
    print(jax.jit(kernel)(*tuple(_d.values())))

</pallas_src>

<mosaic_0001>
#map = affine_map<(d0, d1) -> (0)>
#map1 = affine_map<(d0, d1) -> (0, 0)>
module attributes {stable_mosaic.version = 14 : i64} {
  func.func @_sc_body(%arg0: i32, %arg1: i32, %arg2: memref<204800xi32, #tpu.memory_space<hbm>>, %arg3: memref<12800xf32, #tpu.memory_space<hbm>>, %arg4: memref<100000x128xf32, #tpu.memory_space<hbm>>, %arg5: memref<204800x128xf32, #tpu.memory_space<hbm>>, %arg6: memref<6400xi32, #tpu.memory_space<vmem>>, %arg7: memref<12800xf32, #tpu.memory_space<vmem>>, %arg8: memref<200x128xf32, #tpu.memory_space<vmem>>, %arg9: memref<200x128xf32, #tpu.memory_space<vmem>>, %arg10: memref<200x128xf32, #tpu.memory_space<vmem>>, %arg11: memref<200x128xf32, #tpu.memory_space<vmem>>, %arg12: memref<!tpu.dma_semaphore, #tpu.memory_space<semaphore_mem>>, %arg13: memref<!tpu.dma_semaphore, #tpu.memory_space<semaphore_mem>>, %arg14: memref<!tpu.dma_semaphore, #tpu.memory_space<semaphore_mem>>, %arg15: memref<!tpu.dma_semaphore, #tpu.memory_space<semaphore_mem>>, %arg16: memref<!tpu.dma_semaphore, #tpu.memory_space<semaphore_mem>>, %arg17: memref<!tpu.dma_semaphore, #tpu.memory_space<semaphore_mem>>, %arg18: memref<!tpu.dma_semaphore, #tpu.memory_space<semaphore_mem>>, %arg19: memref<!tpu.dma_semaphore, #tpu.memory_space<semaphore_mem>>) attributes {dimension_semantics = [#tpu.dimension_semantics<core_parallel>, #tpu.dimension_semantics<subcore_parallel>], iteration_bounds = array<i64: 2, 16>, scalar_prefetch = 0 : i64, scratch_operands = 14 : i64, tpu.core_type = #tpu.core_type<sc_vector_subcore>, window_params = [{transform_indices = #map}, {transform_indices = #map}, {transform_indices = #map1}, {transform_indices = #map1}]} {
    %mul3A = arith.constant 2 : i32
    %mul3A_0 = arith.muli %arg1, %mul3A : i32
    %add3A = arith.addi %mul3A_0, %arg0 : i32
    %mul3A_1 = arith.constant 6400 : i32
    %mul3A_2 = arith.muli %add3A, %mul3A_1 : i32
    "tpu.region"() ({
      %run_scoped3A = tpu.sem_alloc : memref<!tpu.dma_semaphore, #tpu.memory_space<semaphore_mem>>
      %dma_start3A_206 = tpu.memref_slice %arg2[%mul3A_2] : memref<204800xi32, #tpu.memory_space<hbm>> -> memref<6400xi32, #tpu.memory_space<hbm>>
      %dma_start3A_207 = tpu.memref_slice %arg2[%mul3A_2] : memref<204800xi32, #tpu.memory_space<hbm>> -> memref<6400xi32, #tpu.memory_space<hbm>>
      tpu.enqueue_dma source(%dma_start3A_207 : memref<6400xi32, #tpu.memory_space<hbm>>) target(%arg6 : memref<6400xi32, #tpu.memory_space<vmem>>) target_semaphore(%run_scoped3A : memref<!tpu.dma_semaphore, #tpu.memory_space<semaphore_mem>>)
      %dma_wait3A_208 = tpu.memref_slice %arg2[%mul3A_2] : memref<204800xi32, #tpu.memory_space<hbm>> -> memref<6400xi32, #tpu.memory_space<hbm>>
      %dma_wait3A_209 = tpu.memref_slice %arg2[%mul3A_2] : memref<204800xi32, #tpu.memory_space<hbm>> -> memref<6400xi32, #tpu.memory_space<hbm>>
      tpu.wait_dma2 semaphore(%run_scoped3A : memref<!tpu.dma_semaphore, #tpu.memory_space<semaphore_mem>>) src(%dma_wait3A_209 : memref<6400xi32, #tpu.memory_space<hbm>>) dst(%arg6 : memref<6400xi32, #tpu.memory_space<vmem>>)
      tpu.yield
    }) : () -> ()
    "tpu.region"() ({
      %run_scoped3A = tpu.sem_alloc : memref<!tpu.dma_semaphore, #tpu.memory_space<semaphore_mem>>
      tpu.enqueue_dma source(%arg3 : memref<12800xf32, #tpu.memory_space<hbm>>) target(%arg7 : memref<12800xf32, #tpu.memory_space<vmem>>) target_semaphore(%run_scoped3A : memref<!tpu.dma_semaphore, #tpu.memory_space<semaphore_mem>>)
      tpu.wait_dma2 semaphore(%run_scoped3A : memref<!tpu.dma_semaphore, #tpu.memory_space<semaphore_mem>>) src(%arg3 : memref<12800xf32, #tpu.memory_space<hbm>>) dst(%arg7 : memref<12800xf32, #tpu.memory_space<vmem>>)
      tpu.yield
    }) : () -> ()
    %dma_start3A = arith.constant 0 : i32
    %dma_start3A_3 = arith.constant 0 : i32
    %dma_start3A_4 = tpu.memref_slice %arg8[%dma_start3A, %dma_start3A_3] : memref<200x128xf32, #tpu.memory_space<vmem>> -> memref<104x128xf32, #tpu.memory_space<vmem>>
    %dma_start3A_5 = arith.constant 0 : i32
    %dma_start3A_6 = tpu.memref_slice %arg6[%dma_start3A_5] : memref<6400xi32, #tpu.memory_space<vmem>> -> memref<104xi32, #tpu.memory_space<vmem>>
    %dma_start3A_7 = arith.constant 0 : i32
    %dma_start3A_8 = arith.constant 0 : i32
    %dma_start3A_9 = tpu.memref_slice %arg4[%dma_start3A_7, %dma_start3A_8] : memref<100000x128xf32, #tpu.memory_space<hbm>> -> memref<100000x128xf32, #tpu.memory_space<hbm>>
    tpu.enqueue_indirect_dma source(%dma_start3A_9 : memref<100000x128xf32, #tpu.memory_space<hbm>>) target(%dma_start3A_4 : memref<104x128xf32, #tpu.memory_space<vmem>>) offsets(%dma_start3A_6 : memref<104xi32, #tpu.memory_space<vmem>>) semaphore(%arg12 : memref<!tpu.dma_semaphore, #tpu.memory_space<semaphore_mem>>)
    %dma_start3A_10 = arith.constant 104 : i32
    %dma_start3A_11 = arith.constant 0 : i32
    %dma_start3A_12 = tpu.memref_slice %arg8[%dma_start3A_10, %dma_start3A_11] : memref<200x128xf32, #tpu.memory_space<vmem>> -> memref<96x128xf32, #tpu.memory_space<vmem>>
    %dma_start3A_13 = arith.constant 104 : i32
    %dma_start3A_14 = tpu.memref_slice %arg6[%dma_start3A_13] : memref<6400xi32, #tpu.memory_space<vmem>> -> memref<96xi32, #tpu.memory_space<vmem>>
    %dma_start3A_15 = arith.constant 0 : i32
    %dma_start3A_16 = arith.constant 0 : i32
    %dma_start3A_17 = tpu.memref_slice %arg4[%dma_start3A_15, %dma_start3A_16] : memref<100000x128xf32, #tpu.memory_space<hbm>> -> memref<100000x128xf32, #tpu.memory_space<hbm>>
    tpu.enqueue_indirect_dma source(%dma_start3A_17 : memref<100000x128xf32, #tpu.memory_space<hbm>>) target(%dma_start3A_12 : memref<96x128xf32, #tpu.memory_space<vmem>>) offsets(%dma_start3A_14 : memref<96xi32, #tpu.memory_space<vmem>>) semaphore(%arg12 : memref<!tpu.dma_semaphore, #tpu.memory_space<semaphore_mem>>)
    %dma_start3A_18 = arith.constant 0 : i32
    %dma_start3A_19 = arith.constant 0 : i32
    %dma_start3A_20 = tpu.memref_slice %arg9[%dma_start3A_18, %dma_start3A_19] : memref<200x128xf32, #tpu.memory_space<vmem>> -> memref<104x128xf32, #tpu.memory_space<vmem>>
    %dma_start3A_21 = arith.constant 200 : i32
    %dma_start3A_22 = tpu.memref_slice %arg6[%dma_start3A_21] : memref<6400xi32, #tpu.memory_space<vmem>> -> memref<104xi32, #tpu.memory_space<vmem>>
    %dma_start3A_23 = arith.constant 0 : i32
    %dma_start3A_24 = arith.constant 0 : i32
    %dma_start3A_25 = tpu.memref_slice %arg4[%dma_start3A_23, %dma_start3A_24] : memref<100000x128xf32, #tpu.memory_space<hbm>> -> memref<100000x128xf32, #tpu.memory_space<hbm>>
    tpu.enqueue_indirect_dma source(%dma_start3A_25 : memref<100000x128xf32, #tpu.memory_space<hbm>>) target(%dma_start3A_20 : memref<104x128xf32, #tpu.memory_space<vmem>>) offsets(%dma_start3A_22 : memref<104xi32, #tpu.memory_space<vmem>>) semaphore(%arg13 : memref<!tpu.dma_semaphore, #tpu.memory_space<semaphore_mem>>)
    %dma_start3A_26 = arith.constant 104 : i32
    %dma_start3A_27 = arith.constant 0 : i32
    %dma_start3A_28 = tpu.memref_slice %arg9[%dma_start3A_26, %dma_start3A_27] : memref<200x128xf32, #tpu.memory_space<vmem>> -> memref<96x128xf32, #tpu.memory_space<vmem>>
    %dma_start3A_29 = arith.constant 304 : i32
    %dma_start3A_30 = tpu.memref_slice %arg6[%dma_start3A_29] : memref<6400xi32, #tpu.memory_space<vmem>> -> memref<96xi32, #tpu.memory_space<vmem>>
    %dma_start3A_31 = arith.constant 0 : i32
    %dma_start3A_32 = arith.constant 0 : i32
    %dma_start3A_33 = tpu.memref_slice %arg4[%dma_start3A_31, %dma_start3A_32] : memref<100000x128xf32, #tpu.memory_space<hbm>> -> memref<100000x128xf32, #tpu.memory_space<hbm>>
    tpu.enqueue_indirect_dma source(%dma_start3A_33 : memref<100000x128xf32, #tpu.memory_space<hbm>>) target(%dma_start3A_28 : memref<96x128xf32, #tpu.memory_space<vmem>>) offsets(%dma_start3A_30 : memref<96xi32, #tpu.memory_space<vmem>>) semaphore(%arg13 : memref<!tpu.dma_semaphore, #tpu.memory_space<semaphore_mem>>)
    %dma_wait3A = arith.constant 0 : i32
    %dma_wait3A_34 = arith.constant 0 : i32
    %dma_wait3A_35 = tpu.memref_slice %arg8[%dma_wait3A, %dma_wait3A_34] : memref<200x128xf32, #tpu.memory_space<vmem>> -> memref<104x128xf32, #tpu.memory_space<vmem>>
    %dma_wait3A_36 = arith.constant 0 : i32
    %dma_wait3A_37 = tpu.memref_slice %arg6[%dma_wait3A_36] : memref<6400xi32, #tpu.memory_space<vmem>> -> memref<104xi32, #tpu.memory_space<vmem>>
    %dma_wait3A_38 = arith.constant 0 : i32
    %dma_wait3A_39 = arith.constant 0 : i32
    %dma_wait3A_40 = tpu.memref_slice %arg4[%dma_wait3A_38, %dma_wait3A_39] : memref<100000x128xf32, #tpu.memory_space<hbm>> -> memref<100000x128xf32, #tpu.memory_space<hbm>>
    tpu.wait_indirect_dma semaphore(%arg12 : memref<!tpu.dma_semaphore, #tpu.memory_space<semaphore_mem>>) src(%dma_wait3A_40 : memref<100000x128xf32, #tpu.memory_space<hbm>>) dst(%dma_wait3A_35 : memref<104x128xf32, #tpu.memory_space<vmem>>)
    %dma_wait3A_41 = arith.constant 104 : i32
    %dma_wait3A_42 = arith.constant 0 : i32
    %dma_wait3A_43 = tpu.memref_slice %arg8[%dma_wait3A_41, %dma_wait3A_42] : memref<200x128xf32, #tpu.memory_space<vmem>> -> memref<96x128xf32, #tpu.memory_space<vmem>>
    %dma_wait3A_44 = arith.constant 104 : i32
    %dma_wait3A_45 = tpu.memref_slice %arg6[%dma_wait3A_44] : memref<6400xi32, #tpu.memory_space<vmem>> -> memref<96xi32, #tpu.memory_space<vmem>>
    %dma_wait3A_46 = arith.constant 0 : i32
    %dma_wait3A_47 = arith.constant 0 : i32
    %dma_wait3A_48 = tpu.memref_slice %arg4[%dma_wait3A_46, %dma_wait3A_47] : memref<100000x128xf32, #tpu.memory_space<hbm>> -> memref<100000x128xf32, #tpu.memory_space<hbm>>
    tpu.wait_indirect_dma semaphore(%arg12 : memref<!tpu.dma_semaphore, #tpu.memory_space<semaphore_mem>>) src(%dma_wait3A_48 : memref<100000x128xf32, #tpu.memory_space<hbm>>) dst(%dma_wait3A_43 : memref<96x128xf32, #tpu.memory_space<vmem>>)
    %dma_start3A_49 = arith.constant 0 : i32
    %dma_start3A_50 = arith.constant 0 : i32
    %dma_start3A_51 = tpu.memref_slice %arg10[%dma_start3A_49, %dma_start3A_50] : memref<200x128xf32, #tpu.memory_space<vmem>> -> memref<104x128xf32, #tpu.memory_space<vmem>>
    %dma_start3A_52 = arith.constant 400 : i32
    %dma_start3A_53 = tpu.memref_slice %arg6[%dma_start3A_52] : memref<6400xi32, #tpu.memory_space<vmem>> -> memref<104xi32, #tpu.memory_space<vmem>>
    %dma_start3A_54 = arith.constant 0 : i32
    %dma_start3A_55 = arith.constant 0 : i32
    %dma_start3A_56 = tpu.memref_slice %arg4[%dma_start3A_54, %dma_start3A_55] : memref<100000x128xf32, #tpu.memory_space<hbm>> -> memref<100000x128xf32, #tpu.memory_space<hbm>>
    tpu.enqueue_indirect_dma source(%dma_start3A_56 : memref<100000x128xf32, #tpu.memory_space<hbm>>) target(%dma_start3A_51 : memref<104x128xf32, #tpu.memory_space<vmem>>) offsets(%dma_start3A_53 : memref<104xi32, #tpu.memory_space<vmem>>) semaphore(%arg14 : memref<!tpu.dma_semaphore, #tpu.memory_space<semaphore_mem>>)
    %dma_start3A_57 = arith.constant 104 : i32
    %dma_start3A_58 = arith.constant 0 : i32
    %dma_start3A_59 = tpu.memref_slice %arg10[%dma_start3A_57, %dma_start3A_58] : memref<200x128xf32, #tpu.memory_space<vmem>> -> memref<96x128xf32, #tpu.memory_space<vmem>>
    %dma_start3A_60 = arith.constant 504 : i32
    %dma_start3A_61 = tpu.memref_slice %arg6[%dma_start3A_60] : memref<6400xi32, #tpu.memory_space<vmem>> -> memref<96xi32, #tpu.memory_space<vmem>>
    %dma_start3A_62 = arith.constant 0 : i32
    %dma_start3A_63 = arith.constant 0 : i32
    %dma_start3A_64 = tpu.memref_slice %arg4[%dma_start3A_62, %dma_start3A_63] : memref<100000x128xf32, #tpu.memory_space<hbm>> -> memref<100000x128xf32, #tpu.memory_space<hbm>>
    tpu.enqueue_indirect_dma source(%dma_start3A_64 : memref<100000x128xf32, #tpu.memory_space<hbm>>) target(%dma_start3A_59 : memref<96x128xf32, #tpu.memory_space<vmem>>) offsets(%dma_start3A_61 : memref<96xi32, #tpu.memory_space<vmem>>) semaphore(%arg14 : memref<!tpu.dma_semaphore, #tpu.memory_space<semaphore_mem>>)
    %scan3A = arith.constant 0 : i32
    %scan3A_65 = arith.constant 0 : i32
    %scan3A_66 = arith.constant 200 : i32
    %scan3A_67 = arith.addi %scan3A_65, %scan3A_66 : i32
    %scan3A_68 = arith.constant 1 : i32
    scf.for %scan3A_206 = %scan3A_65 to %scan3A_67 step %scan3A_68  : i32 {
      %mul3A_207 = arith.constant 64 : i32
      %mul3A_208 = arith.muli %scan3A_206, %mul3A_207 : i32
      %add3A_209 = arith.constant 0 : i32
      %add3A_210 = arith.addi %mul3A_208, %add3A_209 : i32
      %get3A = arith.index_cast %add3A_210 : i32 to index
      %get3A_211 = tpu.vector_load %arg7[%get3A] {strides = array<i32>} : memref<12800xf32, #tpu.memory_space<vmem>>, vector<16xf32>,
      %mul3A_212 = arith.constant 64 : i32
      %mul3A_213 = arith.muli %scan3A_206, %mul3A_212 : i32
      %add3A_214 = arith.constant 16 : i32
      %add3A_215 = arith.addi %mul3A_213, %add3A_214 : i32
      %get3A_216 = arith.index_cast %add3A_215 : i32 to index
      %get3A_217 = tpu.vector_load %arg7[%get3A_216] {strides = array<i32>} : memref<12800xf32, #tpu.memory_space<vmem>>, vector<16xf32>,
      %mul3A_218 = arith.constant 64 : i32
      %mul3A_219 = arith.muli %scan3A_206, %mul3A_218 : i32
      %add3A_220 = arith.constant 32 : i32
      %add3A_221 = arith.addi %mul3A_219, %add3A_220 : i32
      %get3A_222 = arith.index_cast %add3A_221 : i32 to index
      %get3A_223 = tpu.vector_load %arg7[%get3A_222] {strides = array<i32>} : memref<12800xf32, #tpu.memory_space<vmem>>, vector<16xf32>,
      %mul3A_224 = arith.constant 64 : i32
      %mul3A_225 = arith.muli %scan3A_206, %mul3A_224 : i32
      %add3A_226 = arith.constant 48 : i32
      %add3A_227 = arith.addi %mul3A_225, %add3A_226 : i32
      %get3A_228 = arith.index_cast %add3A_227 : i32 to index
      %get3A_229 = tpu.vector_load %arg7[%get3A_228] {strides = array<i32>} : memref<12800xf32, #tpu.memory_space<vmem>>, vector<16xf32>,
      %bitcast3A = vector.bitcast %get3A_211 : vector<16xf32> to vector<32xbf16>
      %unpack3A = tpu.unpack_subelements %bitcast3A, 0 {pack_format = #tpu.pack_format<interleaved>} : vector<32xbf16> -> vector<16xf32>
      %unpack3A_230 = tpu.unpack_subelements %bitcast3A, 1 {pack_format = #tpu.pack_format<interleaved>} : vector<32xbf16> -> vector<16xf32>
      %bitcast3A_231 = vector.bitcast %get3A_217 : vector<16xf32> to vector<32xbf16>
      %unpack3A_232 = tpu.unpack_subelements %bitcast3A_231, 0 {pack_format = #tpu.pack_format<interleaved>} : vector<32xbf16> -> vector<16xf32>
      %unpack3A_233 = tpu.unpack_subelements %bitcast3A_231, 1 {pack_format = #tpu.pack_format<interleaved>} : vector<32xbf16> -> vector<16xf32>
      %bitcast3A_234 = vector.bitcast %get3A_223 : vector<16xf32> to vector<32xbf16>
      %unpack3A_235 = tpu.unpack_subelements %bitcast3A_234, 0 {pack_format = #tpu.pack_format<interleaved>} : vector<32xbf16> -> vector<16xf32>
      %unpack3A_236 = tpu.unpack_subelements %bitcast3A_234, 1 {pack_format = #tpu.pack_format<interleaved>} : vector<32xbf16> -> vector<16xf32>
      %bitcast3A_237 = vector.bitcast %get3A_229 : vector<16xf32> to vector<32xbf16>
      %unpack3A_238 = tpu.unpack_subelements %bitcast3A_237, 0 {pack_format = #tpu.pack_format<interleaved>} : vector<32xbf16> -> vector<16xf32>
      %unpack3A_239 = tpu.unpack_subelements %bitcast3A_237, 1 {pack_format = #tpu.pack_format<interleaved>} : vector<32xbf16> -> vector<16xf32>
      %swap3A = arith.index_cast %scan3A_206 : i32 to index
      %swap3A_240 = arith.constant 0 : index
      %swap3A_241 = tpu.vector_load %arg8[%swap3A, %swap3A_240] {strides = array<i32>} : memref<200x128xf32, #tpu.memory_space<vmem>>, vector<16xf32>,
      tpu.vector_store %arg8[%swap3A, %swap3A_240], %unpack3A {add = true, strides = array<i32>} : memref<200x128xf32, #tpu.memory_space<vmem>>, vector<16xf32>,
      %swap3A_242 = arith.index_cast %scan3A_206 : i32 to index
      %swap3A_243 = arith.constant 16 : index
      %swap3A_244 = tpu.vector_load %arg8[%swap3A_242, %swap3A_243] {strides = array<i32>} : memref<200x128xf32, #tpu.memory_space<vmem>>, vector<16xf32>,
      tpu.vector_store %arg8[%swap3A_242, %swap3A_243], %unpack3A_230 {add = true, strides = array<i32>} : memref<200x128xf32, #tpu.memory_space<vmem>>, vector<16xf32>,
      %swap3A_245 = arith.index_cast %scan3A_206 : i32 to index
      %swap3A_246 = arith.constant 32 : index
      %swap3A_247 = tpu.vector_load %arg8[%swap3A_245, %swap3A_246] {strides = array<i32>} : memref<200x128xf32, #tpu.memory_space<vmem>>, vector<16xf32>,
      tpu.vector_store %arg8[%swap3A_245, %swap3A_246], %unpack3A_232 {add = true, strides = array<i32>} : memref<200x128xf32, #tpu.memory_space<vmem>>, vector<16xf32>,
      %swap3A_248 = arith.index_cast %scan3A_206 : i32 to index
      %swap3A_249 = arith.constant 48 : index
      %swap3A_250 = tpu.vector_load %arg8[%swap3A_248, %swap3A_249] {strides = array<i32>} : memref<200x128xf32, #tpu.memory_space<vmem>>, vector<16xf32>,
      tpu.vector_store %arg8[%swap3A_248, %swap3A_249], %unpack3A_233 {add = true, strides = array<i32>} : memref<200x128xf32, #tpu.memory_space<vmem>>, vector<16xf32>,
      %swap3A_251 = arith.index_cast %scan3A_206 : i32 to index
      %swap3A_252 = arith.constant 64 : index
      %swap3A_253 = tpu.vector_load %arg8[%swap3A_251, %swap3A_252] {strides = array<i32>} : memref<200x128xf32, #tpu.memory_space<vmem>>, vector<16xf32>,
      tpu.vector_store %arg8[%swap3A_251, %swap3A_252], %unpack3A_235 {add = true, strides = array<i32>} : memref<200x128xf32, #tpu.memory_space<vmem>>, vector<16xf32>,
      %swap3A_254 = arith.index_cast %scan3A_206 : i32 to index
      %swap3A_255 = arith.constant 80 : index
      %swap3A_256 = tpu.vector_load %arg8[%swap3A_254, %swap3A_255] {strides = array<i32>} : memref<200x128xf32, #tpu.memory_space<vmem>>, vector<16xf32>,
      tpu.vector_store %arg8[%swap3A_254, %swap3A_255], %unpack3A_236 {add = true, strides = array<i32>} : memref<200x128xf32, #tpu.memory_space<vmem>>, vector<16xf32>,
      %swap3A_257 = arith.index_cast %scan3A_206 : i32 to index
      %swap3A_258 = arith.constant 96 : index
      %swap3A_259 = tpu.vector_load %arg8[%swap3A_257, %swap3A_258] {strides = array<i32>} : memref<200x128xf32, #tpu.memory_space<vmem>>, vector<16xf32>,
      tpu.vector_store %arg8[%swap3A_257, %swap3A_258], %unpack3A_238 {add = true, strides = array<i32>} : memref<200x128xf32, #tpu.memory_space<vmem>>, vector<16xf32>,
      %swap3A_260 = arith.index_cast %scan3A_206 : i32 to index
      %swap3A_261 = arith.constant 112 : index
      %swap3A_262 = tpu.vector_load %arg8[%swap3A_260, %swap3A_261] {strides = array<i32>} : memref<200x128xf32, #tpu.memory_space<vmem>>, vector<16xf32>,
      tpu.vector_store %arg8[%swap3A_260, %swap3A_261], %unpack3A_239 {add = true, strides = array<i32>} : memref<200x128xf32, #tpu.memory_space<vmem>>, vector<16xf32>,
    }
    %scan3A_69 = arith.constant 200 : i32
    %add3A_70 = arith.constant 0 : i32
    %add3A_71 = arith.addi %mul3A_2, %add3A_70 : i32
    %dma_start3A_72 = arith.constant 0 : i32
    %dma_start3A_73 = tpu.memref_slice %arg5[%add3A_71, %dma_start3A_72] : memref<204800x128xf32, #tpu.memory_space<hbm>> -> memref<200x128xf32, #tpu.memory_space<hbm>>
    %dma_start3A_74 = arith.constant 0 : i32
    %dma_start3A_75 = tpu.memref_slice %arg5[%add3A_71, %dma_start3A_74] : memref<204800x128xf32, #tpu.memory_space<hbm>> -> memref<200x128xf32, #tpu.memory_space<hbm>>
    tpu.enqueue_dma source(%arg8 : memref<200x128xf32, #tpu.memory_space<vmem>>) target(%dma_start3A_75 : memref<200x128xf32, #tpu.memory_space<hbm>>) target_semaphore(%arg16 : memref<!tpu.dma_semaphore, #tpu.memory_space<semaphore_mem>>)
    %dma_wait3A_76 = arith.constant 0 : i32
    %dma_wait3A_77 = arith.constant 0 : i32
    %dma_wait3A_78 = tpu.memref_slice %arg9[%dma_wait3A_76, %dma_wait3A_77] : memref<200x128xf32, #tpu.memory_space<vmem>> -> memref<104x128xf32, #tpu.memory_space<vmem>>
    %dma_wait3A_79 = arith.constant 200 : i32
    %dma_wait3A_80 = tpu.memref_slice %arg6[%dma_wait3A_79] : memref<6400xi32, #tpu.memory_space<vmem>> -> memref<104xi32, #tpu.memory_space<vmem>>
    %dma_wait3A_81 = arith.constant 0 : i32
    %dma_wait3A_82 = arith.constant 0 : i32
    %dma_wait3A_83 = tpu.memref_slice %arg4[%dma_wait3A_81, %dma_wait3A_82] : memref<100000x128xf32, #tpu.memory_space<hbm>> -> memref<100000x128xf32, #tpu.memory_space<hbm>>
    tpu.wait_indirect_dma semaphore(%arg13 : memref<!tpu.dma_semaphore, #tpu.memory_space<semaphore_mem>>) src(%dma_wait3A_83 : memref<100000x128xf32, #tpu.memory_space<hbm>>) dst(%dma_wait3A_78 : memref<104x128xf32, #tpu.memory_space<vmem>>)
    %dma_wait3A_84 = arith.constant 104 : i32
    %dma_wait3A_85 = arith.constant 0 : i32
    %dma_wait3A_86 = tpu.memref_slice %arg9[%dma_wait3A_84, %dma_wait3A_85] : memref<200x128xf32, #tpu.memory_space<vmem>> -> memref<96x128xf32, #tpu.memory_space<vmem>>
    %dma_wait3A_87 = arith.constant 304 : i32
    %dma_wait3A_88 = tpu.memref_slice %arg6[%dma_wait3A_87] : memref<6400xi32, #tpu.memory_space<vmem>> -> memref<96xi32, #tpu.memory_space<vmem>>
    %dma_wait3A_89 = arith.constant 0 : i32
    %dma_wait3A_90 = arith.constant 0 : i32
    %dma_wait3A_91 = tpu.memref_slice %arg4[%dma_wait3A_89, %dma_wait3A_90] : memref<100000x128xf32, #tpu.memory_space<hbm>> -> memref<100000x128xf32, #tpu.memory_space<hbm>>
    tpu.wait_indirect_dma semaphore(%arg13 : memref<!tpu.dma_semaphore, #tpu.memory_space<semaphore_mem>>) src(%dma_wait3A_91 : memref<100000x128xf32, #tpu.memory_space<hbm>>) dst(%dma_wait3A_86 : memref<96x128xf32, #tpu.memory_space<vmem>>)
    %dma_start3A_92 = arith.constant 0 : i32
    %dma_start3A_93 = arith.constant 0 : i32
    %dma_start3A_94 = tpu.memref_slice %arg11[%dma_start3A_92, %dma_start3A_93] : memref<200x128xf32, #tpu.memory_space<vmem>> -> memref<104x128xf32, #tpu.memory_space<vmem>>
    %dma_start3A_95 = arith.constant 600 : i32
    %dma_start3A_96 = tpu.memref_slice %arg6[%dma_start3A_95] : memref<6400xi32, #tpu.memory_space<vmem>> -> memref<104xi32, #tpu.memory_space<vmem>>
    %dma_start3A_97 = arith.constant 0 : i32
    %dma_start3A_98 = arith.constant 0 : i32
    %dma_start3A_99 = tpu.memref_slice %arg4[%dma_start3A_97, %dma_start3A_98] : memref<100000x128xf32, #tpu.memory_space<hbm>> -> memref<100000x128xf32, #tpu.memory_space<hbm>>
    tpu.enqueue_indirect_dma source(%dma_start3A_99 : memref<100000x128xf32, #tpu.memory_space<hbm>>) target(%dma_start3A_94 : memref<104x128xf32, #tpu.memory_space<vmem>>) offsets(%dma_start3A_96 : memref<104xi32, #tpu.memory_space<vmem>>) semaphore(%arg15 : memref<!tpu.dma_semaphore, #tpu.memory_space<semaphore_mem>>)
    %dma_start3A_100 = arith.constant 104 : i32
    %dma_start3A_101 = arith.constant 0 : i32
    %dma_start3A_102 = tpu.memref_slice %arg11[%dma_start3A_100, %dma_start3A_101] : memref<200x128xf32, #tpu.memory_space<vmem>> -> memref<96x128xf32, #tpu.memory_space<vmem>>
    %dma_start3A_103 = arith.constant 704 : i32
    %dma_start3A_104 = tpu.memref_slice %arg6[%dma_start3A_103] : memref<6400xi32, #tpu.memory_space<vmem>> -> memref<96xi32, #tpu.memory_space<vmem>>
    %dma_start3A_105 = arith.constant 0 : i32
    %dma_start3A_106 = arith.constant 0 : i32
    %dma_start3A_107 = tpu.memref_slice %arg4[%dma_start3A_105, %dma_start3A_106] : memref<100000x128xf32, #tpu.memory_space<hbm>> -> memref<100000x128xf32, #tpu.memory_space<hbm>>
    tpu.enqueue_indirect_dma source(%dma_start3A_107 : memref<100000x128xf32, #tpu.memory_space<hbm>>) target(%dma_start3A_102 : memref<96x128xf32, #tpu.memory_space<vmem>>) offsets(%dma_start3A_104 : memref<96xi32, #tpu.memory_space<vmem>>) semaphore(%arg15 : memref<!tpu.dma_semaphore, #tpu.memory_space<semaphore_mem>>)
    %scan3A_108 = arith.constant 0 : i32
    %scan3A_109 = arith.constant 0 : i32
    %scan3A_110 = arith.constant 200 : i32
    %scan3A_111 = arith.addi %scan3A_109, %scan3A_110 : i32
    %scan3A_112 = arith.constant 1 : i32
    scf.for %scan3A_206 = %scan3A_109 to %scan3A_111 step %scan3A_112  : i32 {
      %mul3A_207 = arith.constant 64 : i32
      %mul3A_208 = arith.muli %scan3A_206, %mul3A_207 : i32
      %add3A_209 = arith.constant 0 : i32
      %add3A_210 = arith.addi %mul3A_208, %add3A_209 : i32
      %get3A = arith.index_cast %add3A_210 : i32 to index
      %get3A_211 = tpu.vector_load %arg7[%get3A] {strides = array<i32>} : memref<12800xf32, #tpu.memory_space<vmem>>, vector<16xf32>,
      %mul3A_212 = arith.constant 64 : i32
      %mul3A_213 = arith.muli %scan3A_206, %mul3A_212 : i32
      %add3A_214 = arith.constant 16 : i32
      %add3A_215 = arith.addi %mul3A_213, %add3A_214 : i32
      %get3A_216 = arith.index_cast %add3A_215 : i32 to index
      %get3A_217 = tpu.vector_load %arg7[%get3A_216] {strides = array<i32>} : memref<12800xf32, #tpu.memory_space<vmem>>, vector<16xf32>,
      %mul3A_218 = arith.constant 64 : i32
      %mul3A_219 = arith.muli %scan3A_206, %mul3A_218 : i32
      %add3A_220 = arith.constant 32 : i32
      %add3A_221 = arith.addi %mul3A_219, %add3A_220 : i32
      %get3A_222 = arith.index_cast %add3A_221 : i32 to index
      %get3A_223 = tpu.vector_load %arg7[%get3A_222] {strides = array<i32>} : memref<12800xf32, #tpu.memory_space<vmem>>, vector<16xf32>,
      %mul3A_224 = arith.constant 64 : i32
      %mul3A_225 = arith.muli %scan3A_206, %mul3A_224 : i32
      %add3A_226 = arith.constant 48 : i32
      %add3A_227 = arith.addi %mul3A_225, %add3A_226 : i32
      %get3A_228 = arith.index_cast %add3A_227 : i32 to index
      %get3A_229 = tpu.vector_load %arg7[%get3A_228] {strides = array<i32>} : memref<12800xf32, #tpu.memory_space<vmem>>, vector<16xf32>,
      %bitcast3A = vector.bitcast %get3A_211 : vector<16xf32> to vector<32xbf16>
      %unpack3A = tpu.unpack_subelements %bitcast3A, 0 {pack_format = #tpu.pack_format<interleaved>} : vector<32xbf16> -> vector<16xf32>
      %unpack3A_230 = tpu.unpack_subelements %bitcast3A, 1 {pack_format = #tpu.pack_format<interleaved>} : vector<32xbf16> -> vector<16xf32>
      %bitcast3A_231 = vector.bitcast %get3A_217 : vector<16xf32> to vector<32xbf16>
      %unpack3A_232 = tpu.unpack_subelements %bitcast3A_231, 0 {pack_format = #tpu.pack_format<interleaved>} : vector<32xbf16> -> vector<16xf32>
      %unpack3A_233 = tpu.unpack_subelements %bitcast3A_231, 1 {pack_format = #tpu.pack_format<interleaved>} : vector<32xbf16> -> vector<16xf32>
      %bitcast3A_234 = vector.bitcast %get3A_223 : vector<16xf32> to vector<32xbf16>
      %unpack3A_235 = tpu.unpack_subelements %bitcast3A_234, 0 {pack_format = #tpu.pack_format<interleaved>} : vector<32xbf16> -> vector<16xf32>
      %unpack3A_236 = tpu.unpack_subelements %bitcast3A_234, 1 {pack_format = #tpu.pack_format<interleaved>} : vector<32xbf16> -> vector<16xf32>
      %bitcast3A_237 = vector.bitcast %get3A_229 : vector<16xf32> to vector<32xbf16>
      %unpack3A_238 = tpu.unpack_subelements %bitcast3A_237, 0 {pack_format = #tpu.pack_format<interleaved>} : vector<32xbf16> -> vector<16xf32>
      %unpack3A_239 = tpu.unpack_subelements %bitcast3A_237, 1 {pack_format = #tpu.pack_format<interleaved>} : vector<32xbf16> -> vector<16xf32>
      %swap3A = arith.index_cast %scan3A_206 : i32 to index
      %swap3A_240 = arith.constant 0 : index
      %swap3A_241 = tpu.vector_load %arg9[%swap3A, %swap3A_240] {strides = array<i32>} : memref<200x128xf32, #tpu.memory_space<vmem>>, vector<16xf32>,
      tpu.vector_store %arg9[%swap3A, %swap3A_240], %unpack3A {add = true, strides = array<i32>} : memref<200x128xf32, #tpu.memory_space<vmem>>, vector<16xf32>,
      %swap3A_242 = arith.index_cast %scan3A_206 : i32 to index
      %swap3A_243 = arith.constant 16 : index
      %swap3A_244 = tpu.vector_load %arg9[%swap3A_242, %swap3A_243] {strides = array<i32>} : memref<200x128xf32, #tpu.memory_space<vmem>>, vector<16xf32>,
      tpu.vector_store %arg9[%swap3A_242, %swap3A_243], %unpack3A_230 {add = true, strides = array<i32>} : memref<200x128xf32, #tpu.memory_space<vmem>>, vector<16xf32>,
      %swap3A_245 = arith.index_cast %scan3A_206 : i32 to index
      %swap3A_246 = arith.constant 32 : index
      %swap3A_247 = tpu.vector_load %arg9[%swap3A_245, %swap3A_246] {strides = array<i32>} : memref<200x128xf32, #tpu.memory_space<vmem>>, vector<16xf32>,
      tpu.vector_store %arg9[%swap3A_245, %swap3A_246], %unpack3A_232 {add = true, strides = array<i32>} : memref<200x128xf32, #tpu.memory_space<vmem>>, vector<16xf32>,
      %swap3A_248 = arith.index_cast %scan3A_206 : i32 to index
      %swap3A_249 = arith.constant 48 : index
      %swap3A_250 = tpu.vector_load %arg9[%swap3A_248, %swap3A_249] {strides = array<i32>} : memref<200x128xf32, #tpu.memory_space<vmem>>, vector<16xf32>,
      tpu.vector_store %arg9[%swap3A_248, %swap3A_249], %unpack3A_233 {add = true, strides = array<i32>} : memref<200x128xf32, #tpu.memory_space<vmem>>, vector<16xf32>,
      %swap3A_251 = arith.index_cast %scan3A_206 : i32 to index
      %swap3A_252 = arith.constant 64 : index
      %swap3A_253 = tpu.vector_load %arg9[%swap3A_251, %swap3A_252] {strides = array<i32>} : memref<200x128xf32, #tpu.memory_space<vmem>>, vector<16xf32>,
      tpu.vector_store %arg9[%swap3A_251, %swap3A_252], %unpack3A_235 {add = true, strides = array<i32>} : memref<200x128xf32, #tpu.memory_space<vmem>>, vector<16xf32>,
      %swap3A_254 = arith.index_cast %scan3A_206 : i32 to index
      %swap3A_255 = arith.constant 80 : index
      %swap3A_256 = tpu.vector_load %arg9[%swap3A_254, %swap3A_255] {strides = array<i32>} : memref<200x128xf32, #tpu.memory_space<vmem>>, vector<16xf32>,
      tpu.vector_store %arg9[%swap3A_254, %swap3A_255], %unpack3A_236 {add = true, strides = array<i32>} : memref<200x128xf32, #tpu.memory_space<vmem>>, vector<16xf32>,
      %swap3A_257 = arith.index_cast %scan3A_206 : i32 to index
      %swap3A_258 = arith.constant 96 : index
      %swap3A_259 = tpu.vector_load %arg9[%swap3A_257, %swap3A_258] {strides = array<i32>} : memref<200x128xf32, #tpu.memory_space<vmem>>, vector<16xf32>,
      tpu.vector_store %arg9[%swap3A_257, %swap3A_258], %unpack3A_238 {add = true, strides = array<i32>} : memref<200x128xf32, #tpu.memory_space<vmem>>, vector<16xf32>,
      %swap3A_260 = arith.index_cast %scan3A_206 : i32 to index
      %swap3A_261 = arith.constant 112 : index
      %swap3A_262 = tpu.vector_load %arg9[%swap3A_260, %swap3A_261] {strides = array<i32>} : memref<200x128xf32, #tpu.memory_space<vmem>>, vector<16xf32>,
      tpu.vector_store %arg9[%swap3A_260, %swap3A_261], %unpack3A_239 {add = true, strides = array<i32>} : memref<200x128xf32, #tpu.memory_space<vmem>>, vector<16xf32>,
    }
    %scan3A_113 = arith.constant 200 : i32
    %add3A_114 = arith.constant 200 : i32
    %add3A_115 = arith.addi %mul3A_2, %add3A_114 : i32
    %dma_start3A_116 = arith.constant 0 : i32
    %dma_start3A_117 = tpu.memref_slice %arg5[%add3A_115, %dma_start3A_116] : memref<204800x128xf32, #tpu.memory_space<hbm>> -> memref<200x128xf32, #tpu.memory_space<hbm>>
    %dma_start3A_118 = arith.constant 0 : i32
    %dma_start3A_119 = tpu.memref_slice %arg5[%add3A_115, %dma_start3A_118] : memref<204800x128xf32, #tpu.memory_space<hbm>> -> memref<200x128xf32, #tpu.memory_space<hbm>>
    tpu.enqueue_dma source(%arg9 : memref<200x128xf32, #tpu.memory_space<vmem>>) target(%dma_start3A_119 : memref<200x128xf32, #tpu.memory_space<hbm>>) target_semaphore(%arg17 : memref<!tpu.dma_semaphore, #tpu.memory_space<semaphore_mem>>)
    %scan3A_120 = arith.constant 0 : i32
    %scan3A_121 = arith.constant 0 : i32
    %scan3A_122 = arith.constant 7 : i32
    %scan3A_123 = arith.addi %scan3A_121, %scan3A_122 : i32
    %scan3A_124 = arith.constant 1 : i32
    scf.for %scan3A_206 = %scan3A_121 to %scan3A_123 step %scan3A_124  : i32 {
      %mul3A_207 = arith.constant 4 : i32
      %mul3A_208 = arith.muli %scan3A_206, %mul3A_207 : i32
      %add3A_209 = arith.constant 2 : i32
      %add3A_210 = arith.addi %add3A_209, %mul3A_208 : i32
      %mul3A_211 = arith.constant 200 : i32
      %mul3A_212 = arith.muli %add3A_210, %mul3A_211 : i32
      %add3A_213 = arith.constant 104 : i32
      %add3A_214 = arith.addi %mul3A_212, %add3A_213 : i32
      %dma_wait3A_215 = arith.constant 0 : i32
      %dma_wait3A_216 = arith.constant 0 : i32
      %dma_wait3A_217 = tpu.memref_slice %arg10[%dma_wait3A_215, %dma_wait3A_216] : memref<200x128xf32, #tpu.memory_space<vmem>> -> memref<104x128xf32, #tpu.memory_space<vmem>>
      %dma_wait3A_218 = tpu.memref_slice %arg6[%mul3A_212] : memref<6400xi32, #tpu.memory_space<vmem>> -> memref<104xi32, #tpu.memory_space<vmem>>
      %dma_wait3A_219 = arith.constant 0 : i32
      %dma_wait3A_220 = arith.constant 0 : i32
      %dma_wait3A_221 = tpu.memref_slice %arg4[%dma_wait3A_219, %dma_wait3A_220] : memref<100000x128xf32, #tpu.memory_space<hbm>> -> memref<100000x128xf32, #tpu.memory_space<hbm>>
      tpu.wait_indirect_dma semaphore(%arg14 : memref<!tpu.dma_semaphore, #tpu.memory_space<semaphore_mem>>) src(%dma_wait3A_221 : memref<100000x128xf32, #tpu.memory_space<hbm>>) dst(%dma_wait3A_217 : memref<104x128xf32, #tpu.memory_space<vmem>>)
      %dma_wait3A_222 = arith.constant 104 : i32
      %dma_wait3A_223 = arith.constant 0 : i32
      %dma_wait3A_224 = tpu.memref_slice %arg10[%dma_wait3A_222, %dma_wait3A_223] : memref<200x128xf32, #tpu.memory_space<vmem>> -> memref<96x128xf32, #tpu.memory_space<vmem>>
      %dma_wait3A_225 = tpu.memref_slice %arg6[%add3A_214] : memref<6400xi32, #tpu.memory_space<vmem>> -> memref<96xi32, #tpu.memory_space<vmem>>
      %dma_wait3A_226 = arith.constant 0 : i32
      %dma_wait3A_227 = arith.constant 0 : i32
      %dma_wait3A_228 = tpu.memref_slice %arg4[%dma_wait3A_226, %dma_wait3A_227] : memref<100000x128xf32, #tpu.memory_space<hbm>> -> memref<100000x128xf32, #tpu.memory_space<hbm>>
      tpu.wait_indirect_dma semaphore(%arg14 : memref<!tpu.dma_semaphore, #tpu.memory_space<semaphore_mem>>) src(%dma_wait3A_228 : memref<100000x128xf32, #tpu.memory_space<hbm>>) dst(%dma_wait3A_224 : memref<96x128xf32, #tpu.memory_space<vmem>>)
      %sub3A = arith.constant 2 : i32
      %sub3A_229 = arith.subi %add3A_210, %sub3A : i32
      %mul3A_230 = arith.constant 200 : i32
      %mul3A_231 = arith.muli %sub3A_229, %mul3A_230 : i32
      %add3A_232 = arith.addi %mul3A_2, %mul3A_231 : i32
      %dma_wait3A_233 = arith.constant 0 : i32
      %dma_wait3A_234 = tpu.memref_slice %arg5[%add3A_232, %dma_wait3A_233] : memref<204800x128xf32, #tpu.memory_space<hbm>> -> memref<200x128xf32, #tpu.memory_space<hbm>>
      %dma_wait3A_235 = arith.constant 0 : i32
      %dma_wait3A_236 = tpu.memref_slice %arg5[%add3A_232, %dma_wait3A_235] : memref<204800x128xf32, #tpu.memory_space<hbm>> -> memref<200x128xf32, #tpu.memory_space<hbm>>
      tpu.wait_dma2 semaphore(%arg16 : memref<!tpu.dma_semaphore, #tpu.memory_space<semaphore_mem>>) src(%arg8 : memref<200x128xf32, #tpu.memory_space<vmem>>) dst(%dma_wait3A_236 : memref<200x128xf32, #tpu.memory_space<hbm>>)
      %add3A_237 = arith.constant 2 : i32
      %add3A_238 = arith.addi %add3A_210, %add3A_237 : i32
      %mul3A_239 = arith.constant 200 : i32
      %mul3A_240 = arith.muli %add3A_238, %mul3A_239 : i32
      %add3A_241 = arith.constant 104 : i32
      %add3A_242 = arith.addi %mul3A_240, %add3A_241 : i32
      %dma_start3A_243 = arith.constant 0 : i32
      %dma_start3A_244 = arith.constant 0 : i32
      %dma_start3A_245 = tpu.memref_slice %arg8[%dma_start3A_243, %dma_start3A_244] : memref<200x128xf32, #tpu.memory_space<vmem>> -> memref<104x128xf32, #tpu.memory_space<vmem>>
      %dma_start3A_246 = tpu.memref_slice %arg6[%mul3A_240] : memref<6400xi32, #tpu.memory_space<vmem>> -> memref<104xi32, #tpu.memory_space<vmem>>
      %dma_start3A_247 = arith.constant 0 : i32
      %dma_start3A_248 = arith.constant 0 : i32
      %dma_start3A_249 = tpu.memref_slice %arg4[%dma_start3A_247, %dma_start3A_248] : memref<100000x128xf32, #tpu.memory_space<hbm>> -> memref<100000x128xf32, #tpu.memory_space<hbm>>
      tpu.enqueue_indirect_dma source(%dma_start3A_249 : memref<100000x128xf32, #tpu.memory_space<hbm>>) target(%dma_start3A_245 : memref<104x128xf32, #tpu.memory_space<vmem>>) offsets(%dma_start3A_246 : memref<104xi32, #tpu.memory_space<vmem>>) semaphore(%arg12 : memref<!tpu.dma_semaphore, #tpu.memory_space<semaphore_mem>>)
      %dma_start3A_250 = arith.constant 104 : i32
      %dma_start3A_251 = arith.constant 0 : i32
      %dma_start3A_252 = tpu.memref_slice %arg8[%dma_start3A_250, %dma_start3A_251] : memref<200x128xf32, #tpu.memory_space<vmem>> -> memref<96x128xf32, #tpu.memory_space<vmem>>
      %dma_start3A_253 = tpu.memref_slice %arg6[%add3A_242] : memref<6400xi32, #tpu.memory_space<vmem>> -> memref<96xi32, #tpu.memory_space<vmem>>
      %dma_start3A_254 = arith.constant 0 : i32
      %dma_start3A_255 = arith.constant 0 : i32
      %dma_start3A_256 = tpu.memref_slice %arg4[%dma_start3A_254, %dma_start3A_255] : memref<100000x128xf32, #tpu.memory_space<hbm>> -> memref<100000x128xf32, #tpu.memory_space<hbm>>
      tpu.enqueue_indirect_dma source(%dma_start3A_256 : memref<100000x128xf32, #tpu.memory_space<hbm>>) target(%dma_start3A_252 : memref<96x128xf32, #tpu.memory_space<vmem>>) offsets(%dma_start3A_253 : memref<96xi32, #tpu.memory_space<vmem>>) semaphore(%arg12 : memref<!tpu.dma_semaphore, #tpu.memory_space<semaphore_mem>>)
      %scan3A_257 = arith.constant 0 : i32
      %scan3A_258 = arith.constant 0 : i32
      %scan3A_259 = arith.constant 200 : i32
      %scan3A_260 = arith.addi %scan3A_258, %scan3A_259 : i32
      %scan3A_261 = arith.constant 1 : i32
      scf.for %scan3A_456 = %scan3A_258 to %scan3A_260 step %scan3A_261  : i32 {
        %mul3A_457 = arith.constant 64 : i32
        %mul3A_458 = arith.muli %scan3A_456, %mul3A_457 : i32
        %add3A_459 = arith.constant 0 : i32
        %add3A_460 = arith.addi %mul3A_458, %add3A_459 : i32
        %get3A = arith.index_cast %add3A_460 : i32 to index
        %get3A_461 = tpu.vector_load %arg7[%get3A] {strides = array<i32>} : memref<12800xf32, #tpu.memory_space<vmem>>, vector<16xf32>,
        %mul3A_462 = arith.constant 64 : i32
        %mul3A_463 = arith.muli %scan3A_456, %mul3A_462 : i32
        %add3A_464 = arith.constant 16 : i32
        %add3A_465 = arith.addi %mul3A_463, %add3A_464 : i32
        %get3A_466 = arith.index_cast %add3A_465 : i32 to index
        %get3A_467 = tpu.vector_load %arg7[%get3A_466] {strides = array<i32>} : memref<12800xf32, #tpu.memory_space<vmem>>, vector<16xf32>,
        %mul3A_468 = arith.constant 64 : i32
        %mul3A_469 = arith.muli %scan3A_456, %mul3A_468 : i32
        %add3A_470 = arith.constant 32 : i32
        %add3A_471 = arith.addi %mul3A_469, %add3A_470 : i32
        %get3A_472 = arith.index_cast %add3A_471 : i32 to index
        %get3A_473 = tpu.vector_load %arg7[%get3A_472] {strides = array<i32>} : memref<12800xf32, #tpu.memory_space<vmem>>, vector<16xf32>,
        %mul3A_474 = arith.constant 64 : i32
        %mul3A_475 = arith.muli %scan3A_456, %mul3A_474 : i32
        %add3A_476 = arith.constant 48 : i32
        %add3A_477 = arith.addi %mul3A_475, %add3A_476 : i32
        %get3A_478 = arith.index_cast %add3A_477 : i32 to index
        %get3A_479 = tpu.vector_load %arg7[%get3A_478] {strides = array<i32>} : memref<12800xf32, #tpu.memory_space<vmem>>, vector<16xf32>,
        %bitcast3A = vector.bitcast %get3A_461 : vector<16xf32> to vector<32xbf16>
        %unpack3A = tpu.unpack_subelements %bitcast3A, 0 {pack_format = #tpu.pack_format<interleaved>} : vector<32xbf16> -> vector<16xf32>
        %unpack3A_480 = tpu.unpack_subelements %bitcast3A, 1 {pack_format = #tpu.pack_format<interleaved>} : vector<32xbf16> -> vector<16xf32>
        %bitcast3A_481 = vector.bitcast %get3A_467 : vector<16xf32> to vector<32xbf16>
        %unpack3A_482 = tpu.unpack_subelements %bitcast3A_481, 0 {pack_format = #tpu.pack_format<interleaved>} : vector<32xbf16> -> vector<16xf32>
        %unpack3A_483 = tpu.unpack_subelements %bitcast3A_481, 1 {pack_format = #tpu.pack_format<interleaved>} : vector<32xbf16> -> vector<16xf32>
        %bitcast3A_484 = vector.bitcast %get3A_473 : vector<16xf32> to vector<32xbf16>
        %unpack3A_485 = tpu.unpack_subelements %bitcast3A_484, 0 {pack_format = #tpu.pack_format<interleaved>} : vector<32xbf16> -> vector<16xf32>
        %unpack3A_486 = tpu.unpack_subelements %bitcast3A_484, 1 {pack_format = #tpu.pack_format<interleaved>} : vector<32xbf16> -> vector<16xf32>
        %bitcast3A_487 = vector.bitcast %get3A_479 : vector<16xf32> to vector<32xbf16>
        %unpack3A_488 = tpu.unpack_subelements %bitcast3A_487, 0 {pack_format = #tpu.pack_format<interleaved>} : vector<32xbf16> -> vector<16xf32>
        %unpack3A_489 = tpu.unpack_subelements %bitcast3A_487, 1 {pack_format = #tpu.pack_format<interleaved>} : vector<32xbf16> -> vector<16xf32>
        %swap3A = arith.index_cast %scan3A_456 : i32 to index
        %swap3A_490 = arith.constant 0 : index
        %swap3A_491 = tpu.vector_load %arg10[%swap3A, %swap3A_490] {strides = array<i32>} : memref<200x128xf32, #tpu.memory_space<vmem>>, vector<16xf32>,
        tpu.vector_store %arg10[%swap3A, %swap3A_490], %unpack3A {add = true, strides = array<i32>} : memref<200x128xf32, #tpu.memory_space<vmem>>, vector<16xf32>,
        %swap3A_492 = arith.index_cast %scan3A_456 : i32 to index
        %swap3A_493 = arith.constant 16 : index
        %swap3A_494 = tpu.vector_load %arg10[%swap3A_492, %swap3A_493] {strides = array<i32>} : memref<200x128xf32, #tpu.memory_space<vmem>>, vector<16xf32>,
        tpu.vector_store %arg10[%swap3A_492, %swap3A_493], %unpack3A_480 {add = true, strides = array<i32>} : memref<200x128xf32, #tpu.memory_space<vmem>>, vector<16xf32>,
        %swap3A_495 = arith.index_cast %scan3A_456 : i32 to index
        %swap3A_496 = arith.constant 32 : index
        %swap3A_497 = tpu.vector_load %arg10[%swap3A_495, %swap3A_496] {strides = array<i32>} : memref<200x128xf32, #tpu.memory_space<vmem>>, vector<16xf32>,
        tpu.vector_store %arg10[%swap3A_495, %swap3A_496], %unpack3A_482 {add = true, strides = array<i32>} : memref<200x128xf32, #tpu.memory_space<vmem>>, vector<16xf32>,
        %swap3A_498 = arith.index_cast %scan3A_456 : i32 to index
        %swap3A_499 = arith.constant 48 : index
        %swap3A_500 = tpu.vector_load %arg10[%swap3A_498, %swap3A_499] {strides = array<i32>} : memref<200x128xf32, #tpu.memory_space<vmem>>, vector<16xf32>,
        tpu.vector_store %arg10[%swap3A_498, %swap3A_499], %unpack3A_483 {add = true, strides = array<i32>} : memref<200x128xf32, #tpu.memory_space<vmem>>, vector<16xf32>,
        %swap3A_501 = arith.index_cast %scan3A_456 : i32 to index
        %swap3A_502 = arith.constant 64 : index
        %swap3A_503 = tpu.vector_load %arg10[%swap3A_501, %swap3A_502] {strides = array<i32>} : memref<200x128xf32, #tpu.memory_space<vmem>>, vector<16xf32>,
        tpu.vector_store %arg10[%swap3A_501, %swap3A_502], %unpack3A_485 {add = true, strides = array<i32>} : memref<200x128xf32, #tpu.memory_space<vmem>>, vector<16xf32>,
        %swap3A_504 = arith.index_cast %scan3A_456 : i32 to index
        %swap3A_505 = arith.constant 80 : index
        %swap3A_506 = tpu.vector_load %arg10[%swap3A_504, %swap3A_505] {strides = array<i32>} : memref<200x128xf32, #tpu.memory_space<vmem>>, vector<16xf32>,
        tpu.vector_store %arg10[%swap3A_504, %swap3A_505], %unpack3A_486 {add = true, strides = array<i32>} : memref<200x128xf32, #tpu.memory_space<vmem>>, vector<16xf32>,
        %swap3A_507 = arith.index_cast %scan3A_456 : i32 to index
        %swap3A_508 = arith.constant 96 : index
        %swap3A_509 = tpu.vector_load %arg10[%swap3A_507, %swap3A_508] {strides = array<i32>} : memref<200x128xf32, #tpu.memory_space<vmem>>, vector<16xf32>,
        tpu.vector_store %arg10[%swap3A_507, %swap3A_508], %unpack3A_488 {add = true, strides = array<i32>} : memref<200x128xf32, #tpu.memory_space<vmem>>, vector<16xf32>,
        %swap3A_510 = arith.index_cast %scan3A_456 : i32 to index
        %swap3A_511 = arith.constant 112 : index
        %swap3A_512 = tpu.vector_load %arg10[%swap3A_510, %swap3A_511] {strides = array<i32>} : memref<200x128xf32, #tpu.memory_space<vmem>>, vector<16xf32>,
        tpu.vector_store %arg10[%swap3A_510, %swap3A_511], %unpack3A_489 {add = true, strides = array<i32>} : memref<200x128xf32, #tpu.memory_space<vmem>>, vector<16xf32>,
      }
      %scan3A_262 = arith.constant 200 : i32
      %mul3A_263 = arith.constant 200 : i32
      %mul3A_264 = arith.muli %add3A_210, %mul3A_263 : i32
      %add3A_265 = arith.addi %mul3A_2, %mul3A_264 : i32
      %dma_start3A_266 = arith.constant 0 : i32
      %dma_start3A_267 = tpu.memref_slice %arg5[%add3A_265, %dma_start3A_266] : memref<204800x128xf32, #tpu.memory_space<hbm>> -> memref<200x128xf32, #tpu.memory_space<hbm>>
      %dma_start3A_268 = arith.constant 0 : i32
      %dma_start3A_269 = tpu.memref_slice %arg5[%add3A_265, %dma_start3A_268] : memref<204800x128xf32, #tpu.memory_space<hbm>> -> memref<200x128xf32, #tpu.memory_space<hbm>>
      tpu.enqueue_dma source(%arg10 : memref<200x128xf32, #tpu.memory_space<vmem>>) target(%dma_start3A_269 : memref<200x128xf32, #tpu.memory_space<hbm>>) target_semaphore(%arg18 : memref<!tpu.dma_semaphore, #tpu.memory_space<semaphore_mem>>)
      %add3A_270 = arith.constant 1 : i32
      %add3A_271 = arith.addi %add3A_210, %add3A_270 : i32
      %mul3A_272 = arith.constant 200 : i32
      %mul3A_273 = arith.muli %add3A_271, %mul3A_272 : i32
      %add3A_274 = arith.constant 104 : i32
      %add3A_275 = arith.addi %mul3A_273, %add3A_274 : i32
      %dma_wait3A_276 = arith.constant 0 : i32
      %dma_wait3A_277 = arith.constant 0 : i32
      %dma_wait3A_278 = tpu.memref_slice %arg11[%dma_wait3A_276, %dma_wait3A_277] : memref<200x128xf32, #tpu.memory_space<vmem>> -> memref<104x128xf32, #tpu.memory_space<vmem>>
      %dma_wait3A_279 = tpu.memref_slice %arg6[%mul3A_273] : memref<6400xi32, #tpu.memory_space<vmem>> -> memref<104xi32, #tpu.memory_space<vmem>>
      %dma_wait3A_280 = arith.constant 0 : i32
      %dma_wait3A_281 = arith.constant 0 : i32
      %dma_wait3A_282 = tpu.memref_slice %arg4[%dma_wait3A_280, %dma_wait3A_281] : memref<100000x128xf32, #tpu.memory_space<hbm>> -> memref<100000x128xf32, #tpu.memory_space<hbm>>
      tpu.wait_indirect_dma semaphore(%arg15 : memref<!tpu.dma_semaphore, #tpu.memory_space<semaphore_mem>>) src(%dma_wait3A_282 : memref<100000x128xf32, #tpu.memory_space<hbm>>) dst(%dma_wait3A_278 : memref<104x128xf32, #tpu.memory_space<vmem>>)
      %dma_wait3A_283 = arith.constant 104 : i32
      %dma_wait3A_284 = arith.constant 0 : i32
      %dma_wait3A_285 = tpu.memref_slice %arg11[%dma_wait3A_283, %dma_wait3A_284] : memref<200x128xf32, #tpu.memory_space<vmem>> -> memref<96x128xf32, #tpu.memory_space<vmem>>
      %dma_wait3A_286 = tpu.memref_slice %arg6[%add3A_275] : memref<6400xi32, #tpu.memory_space<vmem>> -> memref<96xi32, #tpu.memory_space<vmem>>
      %dma_wait3A_287 = arith.constant 0 : i32
      %dma_wait3A_288 = arith.constant 0 : i32
      %dma_wait3A_289 = tpu.memref_slice %arg4[%dma_wait3A_287, %dma_wait3A_288] : memref<100000x128xf32, #tpu.memory_space<hbm>> -> memref<100000x128xf32, #tpu.memory_space<hbm>>
      tpu.wait_indirect_dma semaphore(%arg15 : memref<!tpu.dma_semaphore, #tpu.memory_space<semaphore_mem>>) src(%dma_wait3A_289 : memref<100000x128xf32, #tpu.memory_space<hbm>>) dst(%dma_wait3A_285 : memref<96x128xf32, #tpu.memory_space<vmem>>)
      %sub3A_290 = arith.constant 2 : i32
      %sub3A_291 = arith.subi %add3A_271, %sub3A_290 : i32
      %mul3A_292 = arith.constant 200 : i32
      %mul3A_293 = arith.muli %sub3A_291, %mul3A_292 : i32
      %add3A_294 = arith.addi %mul3A_2, %mul3A_293 : i32
      %dma_wait3A_295 = arith.constant 0 : i32
      %dma_wait3A_296 = tpu.memref_slice %arg5[%add3A_294, %dma_wait3A_295] : memref<204800x128xf32, #tpu.memory_space<hbm>> -> memref<200x128xf32, #tpu.memory_space<hbm>>
      %dma_wait3A_297 = arith.constant 0 : i32
      %dma_wait3A_298 = tpu.memref_slice %arg5[%add3A_294, %dma_wait3A_297] : memref<204800x128xf32, #tpu.memory_space<hbm>> -> memref<200x128xf32, #tpu.memory_space<hbm>>
      tpu.wait_dma2 semaphore(%arg17 : memref<!tpu.dma_semaphore, #tpu.memory_space<semaphore_mem>>) src(%arg9 : memref<200x128xf32, #tpu.memory_space<vmem>>) dst(%dma_wait3A_298 : memref<200x128xf32, #tpu.memory_space<hbm>>)
      %add3A_299 = arith.constant 2 : i32
      %add3A_300 = arith.addi %add3A_271, %add3A_299 : i32
      %mul3A_301 = arith.constant 200 : i32
      %mul3A_302 = arith.muli %add3A_300, %mul3A_301 : i32
      %add3A_303 = arith.constant 104 : i32
      %add3A_304 = arith.addi %mul3A_302, %add3A_303 : i32
      %dma_start3A_305 = arith.constant 0 : i32
      %dma_start3A_306 = arith.constant 0 : i32
      %dma_start3A_307 = tpu.memref_slice %arg9[%dma_start3A_305, %dma_start3A_306] : memref<200x128xf32, #tpu.memory_space<vmem>> -> memref<104x128xf32, #tpu.memory_space<vmem>>
      %dma_start3A_308 = tpu.memref_slice %arg6[%mul3A_302] : memref<6400xi32, #tpu.memory_space<vmem>> -> memref<104xi32, #tpu.memory_space<vmem>>
      %dma_start3A_309 = arith.constant 0 : i32
      %dma_start3A_310 = arith.constant 0 : i32
      %dma_start3A_311 = tpu.memref_slice %arg4[%dma_start3A_309, %dma_start3A_310] : memref<100000x128xf32, #tpu.memory_space<hbm>> -> memref<100000x128xf32, #tpu.memory_space<hbm>>
      tpu.enqueue_indirect_dma source(%dma_start3A_311 : memref<100000x128xf32, #tpu.memory_space<hbm>>) target(%dma_start3A_307 : memref<104x128xf32, #tpu.memory_space<vmem>>) offsets(%dma_start3A_308 : memref<104xi32, #tpu.memory_space<vmem>>) semaphore(%arg13 : memref<!tpu.dma_semaphore, #tpu.memory_space<semaphore_mem>>)
      %dma_start3A_312 = arith.constant 104 : i32
      %dma_start3A_313 = arith.constant 0 : i32
      %dma_start3A_314 = tpu.memref_slice %arg9[%dma_start3A_312, %dma_start3A_313] : memref<200x128xf32, #tpu.memory_space<vmem>> -> memref<96x128xf32, #tpu.memory_space<vmem>>
      %dma_start3A_315 = tpu.memref_slice %arg6[%add3A_304] : memref<6400xi32, #tpu.memory_space<vmem>> -> memref<96xi32, #tpu.memory_space<vmem>>
      %dma_start3A_316 = arith.constant 0 : i32
      %dma_start3A_317 = arith.constant 0 : i32
      %dma_start3A_318 = tpu.memref_slice %arg4[%dma_start3A_316, %dma_start3A_317] : memref<100000x128xf32, #tpu.memory_space<hbm>> -> memref<100000x128xf32, #tpu.memory_space<hbm>>
      tpu.enqueue_indirect_dma source(%dma_start3A_318 : memref<100000x128xf32, #tpu.memory_space<hbm>>) target(%dma_start3A_314 : memref<96x128xf32, #tpu.memory_space<vmem>>) offsets(%dma_start3A_315 : memref<96xi32, #tpu.memory_space<vmem>>) semaphore(%arg13 : memref<!tpu.dma_semaphore, #tpu.memory_space<semaphore_mem>>)
      %scan3A_319 = arith.constant 0 : i32
      %scan3A_320 = arith.constant 0 : i32
      %scan3A_321 = arith.constant 200 : i32
      %scan3A_322 = arith.addi %scan3A_320, %scan3A_321 : i32
      %scan3A_323 = arith.constant 1 : i32
      scf.for %scan3A_456 = %scan3A_320 to %scan3A_322 step %scan3A_323  : i32 {
        %mul3A_457 = arith.constant 64 : i32
        %mul3A_458 = arith.muli %scan3A_456, %mul3A_457 : i32
        %add3A_459 = arith.constant 0 : i32
        %add3A_460 = arith.addi %mul3A_458, %add3A_459 : i32
        %get3A = arith.index_cast %add3A_460 : i32 to index
        %get3A_461 = tpu.vector_load %arg7[%get3A] {strides = array<i32>} : memref<12800xf32, #tpu.memory_space<vmem>>, vector<16xf32>,
        %mul3A_462 = arith.constant 64 : i32
        %mul3A_463 = arith.muli %scan3A_456, %mul3A_462 : i32
        %add3A_464 = arith.constant 16 : i32
        %add3A_465 = arith.addi %mul3A_463, %add3A_464 : i32
        %get3A_466 = arith.index_cast %add3A_465 : i32 to index
        %get3A_467 = tpu.vector_load %arg7[%get3A_466] {strides = array<i32>} : memref<12800xf32, #tpu.memory_space<vmem>>, vector<16xf32>,
        %mul3A_468 = arith.constant 64 : i32
        %mul3A_469 = arith.muli %scan3A_456, %mul3A_468 : i32
        %add3A_470 = arith.constant 32 : i32
        %add3A_471 = arith.addi %mul3A_469, %add3A_470 : i32
        %get3A_472 = arith.index_cast %add3A_471 : i32 to index
        %get3A_473 = tpu.vector_load %arg7[%get3A_472] {strides = array<i32>} : memref<12800xf32, #tpu.memory_space<vmem>>, vector<16xf32>,
        %mul3A_474 = arith.constant 64 : i32
        %mul3A_475 = arith.muli %scan3A_456, %mul3A_474 : i32
        %add3A_476 = arith.constant 48 : i32
        %add3A_477 = arith.addi %mul3A_475, %add3A_476 : i32
        %get3A_478 = arith.index_cast %add3A_477 : i32 to index
        %get3A_479 = tpu.vector_load %arg7[%get3A_478] {strides = array<i32>} : memref<12800xf32, #tpu.memory_space<vmem>>, vector<16xf32>,
        %bitcast3A = vector.bitcast %get3A_461 : vector<16xf32> to vector<32xbf16>
        %unpack3A = tpu.unpack_subelements %bitcast3A, 0 {pack_format = #tpu.pack_format<interleaved>} : vector<32xbf16> -> vector<16xf32>
        %unpack3A_480 = tpu.unpack_subelements %bitcast3A, 1 {pack_format = #tpu.pack_format<interleaved>} : vector<32xbf16> -> vector<16xf32>
        %bitcast3A_481 = vector.bitcast %get3A_467 : vector<16xf32> to vector<32xbf16>
        %unpack3A_482 = tpu.unpack_subelements %bitcast3A_481, 0 {pack_format = #tpu.pack_format<interleaved>} : vector<32xbf16> -> vector<16xf32>
        %unpack3A_483 = tpu.unpack_subelements %bitcast3A_481, 1 {pack_format = #tpu.pack_format<interleaved>} : vector<32xbf16> -> vector<16xf32>
        %bitcast3A_484 = vector.bitcast %get3A_473 : vector<16xf32> to vector<32xbf16>
        %unpack3A_485 = tpu.unpack_subelements %bitcast3A_484, 0 {pack_format = #tpu.pack_format<interleaved>} : vector<32xbf16> -> vector<16xf32>
        %unpack3A_486 = tpu.unpack_subelements %bitcast3A_484, 1 {pack_format = #tpu.pack_format<interleaved>} : vector<32xbf16> -> vector<16xf32>
        %bitcast3A_487 = vector.bitcast %get3A_479 : vector<16xf32> to vector<32xbf16>
        %unpack3A_488 = tpu.unpack_subelements %bitcast3A_487, 0 {pack_format = #tpu.pack_format<interleaved>} : vector<32xbf16> -> vector<16xf32>
        %unpack3A_489 = tpu.unpack_subelements %bitcast3A_487, 1 {pack_format = #tpu.pack_format<interleaved>} : vector<32xbf16> -> vector<16xf32>
        %swap3A = arith.index_cast %scan3A_456 : i32 to index
        %swap3A_490 = arith.constant 0 : index
        %swap3A_491 = tpu.vector_load %arg11[%swap3A, %swap3A_490] {strides = array<i32>} : memref<200x128xf32, #tpu.memory_space<vmem>>, vector<16xf32>,
        tpu.vector_store %arg11[%swap3A, %swap3A_490], %unpack3A {add = true, strides = array<i32>} : memref<200x128xf32, #tpu.memory_space<vmem>>, vector<16xf32>,
        %swap3A_492 = arith.index_cast %scan3A_456 : i32 to index
        %swap3A_493 = arith.constant 16 : index
        %swap3A_494 = tpu.vector_load %arg11[%swap3A_492, %swap3A_493] {strides = array<i32>} : memref<200x128xf32, #tpu.memory_space<vmem>>, vector<16xf32>,
        tpu.vector_store %arg11[%swap3A_492, %swap3A_493], %unpack3A_480 {add = true, strides = array<i32>} : memref<200x128xf32, #tpu.memory_space<vmem>>, vector<16xf32>,
        %swap3A_495 = arith.index_cast %scan3A_456 : i32 to index
        %swap3A_496 = arith.constant 32 : index
        %swap3A_497 = tpu.vector_load %arg11[%swap3A_495, %swap3A_496] {strides = array<i32>} : memref<200x128xf32, #tpu.memory_space<vmem>>, vector<16xf32>,
        tpu.vector_store %arg11[%swap3A_495, %swap3A_496], %unpack3A_482 {add = true, strides = array<i32>} : memref<200x128xf32, #tpu.memory_space<vmem>>, vector<16xf32>,
        %swap3A_498 = arith.index_cast %scan3A_456 : i32 to index
        %swap3A_499 = arith.constant 48 : index
        %swap3A_500 = tpu.vector_load %arg11[%swap3A_498, %swap3A_499] {strides = array<i32>} : memref<200x128xf32, #tpu.memory_space<vmem>>, vector<16xf32>,
        tpu.vector_store %arg11[%swap3A_498, %swap3A_499], %unpack3A_483 {add = true, strides = array<i32>} : memref<200x128xf32, #tpu.memory_space<vmem>>, vector<16xf32>,
        %swap3A_501 = arith.index_cast %scan3A_456 : i32 to index
        %swap3A_502 = arith.constant 64 : index
        %swap3A_503 = tpu.vector_load %arg11[%swap3A_501, %swap3A_502] {strides = array<i32>} : memref<200x128xf32, #tpu.memory_space<vmem>>, vector<16xf32>,
        tpu.vector_store %arg11[%swap3A_501, %swap3A_502], %unpack3A_485 {add = true, strides = array<i32>} : memref<200x128xf32, #tpu.memory_space<vmem>>, vector<16xf32>,
        %swap3A_504 = arith.index_cast %scan3A_456 : i32 to index
        %swap3A_505 = arith.constant 80 : index
        %swap3A_506 = tpu.vector_load %arg11[%swap3A_504, %swap3A_505] {strides = array<i32>} : memref<200x128xf32, #tpu.memory_space<vmem>>, vector<16xf32>,
        tpu.vector_store %arg11[%swap3A_504, %swap3A_505], %unpack3A_486 {add = true, strides = array<i32>} : memref<200x128xf32, #tpu.memory_space<vmem>>, vector<16xf32>,
        %swap3A_507 = arith.index_cast %scan3A_456 : i32 to index
        %swap3A_508 = arith.constant 96 : index
        %swap3A_509 = tpu.vector_load %arg11[%swap3A_507, %swap3A_508] {strides = array<i32>} : memref<200x128xf32, #tpu.memory_space<vmem>>, vector<16xf32>,
        tpu.vector_store %arg11[%swap3A_507, %swap3A_508], %unpack3A_488 {add = true, strides = array<i32>} : memref<200x128xf32, #tpu.memory_space<vmem>>, vector<16xf32>,
        %swap3A_510 = arith.index_cast %scan3A_456 : i32 to index
        %swap3A_511 = arith.constant 112 : index
        %swap3A_512 = tpu.vector_load %arg11[%swap3A_510, %swap3A_511] {strides = array<i32>} : memref<200x128xf32, #tpu.memory_space<vmem>>, vector<16xf32>,
        tpu.vector_store %arg11[%swap3A_510, %swap3A_511], %unpack3A_489 {add = true, strides = array<i32>} : memref<200x128xf32, #tpu.memory_space<vmem>>, vector<16xf32>,
      }
      %scan3A_324 = arith.constant 200 : i32
      %mul3A_325 = arith.constant 200 : i32
      %mul3A_326 = arith.muli %add3A_271, %mul3A_325 : i32
      %add3A_327 = arith.addi %mul3A_2, %mul3A_326 : i32
      %dma_start3A_328 = arith.constant 0 : i32
      %dma_start3A_329 = tpu.memref_slice %arg5[%add3A_327, %dma_start3A_328] : memref<204800x128xf32, #tpu.memory_space<hbm>> -> memref<200x128xf32, #tpu.memory_space<hbm>>
      %dma_start3A_330 = arith.constant 0 : i32
      %dma_start3A_331 = tpu.memref_slice %arg5[%add3A_327, %dma_start3A_330] : memref<204800x128xf32, #tpu.memory_space<hbm>> -> memref<200x128xf32, #tpu.memory_space<hbm>>
      tpu.enqueue_dma source(%arg11 : memref<200x128xf32, #tpu.memory_space<vmem>>) target(%dma_start3A_331 : memref<200x128xf32, #tpu.memory_space<hbm>>) target_semaphore(%arg19 : memref<!tpu.dma_semaphore, #tpu.memory_space<semaphore_mem>>)
      %add3A_332 = arith.constant 2 : i32
      %add3A_333 = arith.addi %add3A_210, %add3A_332 : i32
      %mul3A_334 = arith.constant 200 : i32
      %mul3A_335 = arith.muli %add3A_333, %mul3A_334 : i32
      %add3A_336 = arith.constant 104 : i32
      %add3A_337 = arith.addi %mul3A_335, %add3A_336 : i32
      %dma_wait3A_338 = arith.constant 0 : i32
      %dma_wait3A_339 = arith.constant 0 : i32
      %dma_wait3A_340 = tpu.memref_slice %arg8[%dma_wait3A_338, %dma_wait3A_339] : memref<200x128xf32, #tpu.memory_space<vmem>> -> memref<104x128xf32, #tpu.memory_space<vmem>>
      %dma_wait3A_341 = tpu.memref_slice %arg6[%mul3A_335] : memref<6400xi32, #tpu.memory_space<vmem>> -> memref<104xi32, #tpu.memory_space<vmem>>
      %dma_wait3A_342 = arith.constant 0 : i32
      %dma_wait3A_343 = arith.constant 0 : i32
      %dma_wait3A_344 = tpu.memref_slice %arg4[%dma_wait3A_342, %dma_wait3A_343] : memref<100000x128xf32, #tpu.memory_space<hbm>> -> memref<100000x128xf32, #tpu.memory_space<hbm>>
      tpu.wait_indirect_dma semaphore(%arg12 : memref<!tpu.dma_semaphore, #tpu.memory_space<semaphore_mem>>) src(%dma_wait3A_344 : memref<100000x128xf32, #tpu.memory_space<hbm>>) dst(%dma_wait3A_340 : memref<104x128xf32, #tpu.memory_space<vmem>>)
      %dma_wait3A_345 = arith.constant 104 : i32
      %dma_wait3A_346 = arith.constant 0 : i32
      %dma_wait3A_347 = tpu.memref_slice %arg8[%dma_wait3A_345, %dma_wait3A_346] : memref<200x128xf32, #tpu.memory_space<vmem>> -> memref<96x128xf32, #tpu.memory_space<vmem>>
      %dma_wait3A_348 = tpu.memref_slice %arg6[%add3A_337] : memref<6400xi32, #tpu.memory_space<vmem>> -> memref<96xi32, #tpu.memory_space<vmem>>
      %dma_wait3A_349 = arith.constant 0 : i32
      %dma_wait3A_350 = arith.constant 0 : i32
      %dma_wait3A_351 = tpu.memref_slice %arg4[%dma_wait3A_349, %dma_wait3A_350] : memref<100000x128xf32, #tpu.memory_space<hbm>> -> memref<100000x128xf32, #tpu.memory_space<hbm>>
      tpu.wait_indirect_dma semaphore(%arg12 : memref<!tpu.dma_semaphore, #tpu.memory_space<semaphore_mem>>) src(%dma_wait3A_351 : memref<100000x128xf32, #tpu.memory_space<hbm>>) dst(%dma_wait3A_347 : memref<96x128xf32, #tpu.memory_space<vmem>>)
      %sub3A_352 = arith.constant 2 : i32
      %sub3A_353 = arith.subi %add3A_333, %sub3A_352 : i32
      %mul3A_354 = arith.constant 200 : i32
      %mul3A_355 = arith.muli %sub3A_353, %mul3A_354 : i32
      %add3A_356 = arith.addi %mul3A_2, %mul3A_355 : i32
      %dma_wait3A_357 = arith.constant 0 : i32
      %dma_wait3A_358 = tpu.memref_slice %arg5[%add3A_356, %dma_wait3A_357] : memref<204800x128xf32, #tpu.memory_space<hbm>> -> memref<200x128xf32, #tpu.memory_space<hbm>>
      %dma_wait3A_359 = arith.constant 0 : i32
      %dma_wait3A_360 = tpu.memref_slice %arg5[%add3A_356, %dma_wait3A_359] : memref<204800x128xf32, #tpu.memory_space<hbm>> -> memref<200x128xf32, #tpu.memory_space<hbm>>
      tpu.wait_dma2 semaphore(%arg18 : memref<!tpu.dma_semaphore, #tpu.memory_space<semaphore_mem>>) src(%arg10 : memref<200x128xf32, #tpu.memory_space<vmem>>) dst(%dma_wait3A_360 : memref<200x128xf32, #tpu.memory_space<hbm>>)
      %add3A_361 = arith.constant 2 : i32
      %add3A_362 = arith.addi %add3A_333, %add3A_361 : i32
      %mul3A_363 = arith.constant 200 : i32
      %mul3A_364 = arith.muli %add3A_362, %mul3A_363 : i32
      %add3A_365 = arith.constant 104 : i32
      %add3A_366 = arith.addi %mul3A_364, %add3A_365 : i32
      %dma_start3A_367 = arith.constant 0 : i32
      %dma_start3A_368 = arith.constant 0 : i32
      %dma_start3A_369 = tpu.memref_slice %arg10[%dma_start3A_367, %dma_start3A_368] : memref<200x128xf32, #tpu.memory_space<vmem>> -> memref<104x128xf32, #tpu.memory_space<vmem>>
      %dma_start3A_370 = tpu.memref_slice %arg6[%mul3A_364] : memref<6400xi32, #tpu.memory_space<vmem>> -> memref<104xi32, #tpu.memory_space<vmem>>
      %dma_start3A_371 = arith.constant 0 : i32
      %dma_start3A_372 = arith.constant 0 : i32
      %dma_start3A_373 = tpu.memref_slice %arg4[%dma_start3A_371, %dma_start3A_372] : memref<100000x128xf32, #tpu.memory_space<hbm>> -> memref<100000x128xf32, #tpu.memory_space<hbm>>
      tpu.enqueue_indirect_dma source(%dma_start3A_373 : memref<100000x128xf32, #tpu.memory_space<hbm>>) target(%dma_start3A_369 : memref<104x128xf32, #tpu.memory_space<vmem>>) offsets(%dma_start3A_370 : memref<104xi32, #tpu.memory_space<vmem>>) semaphore(%arg14 : memref<!tpu.dma_semaphore, #tpu.memory_space<semaphore_mem>>)
      %dma_start3A_374 = arith.constant 104 : i32
      %dma_start3A_375 = arith.constant 0 : i32
      %dma_start3A_376 = tpu.memref_slice %arg10[%dma_start3A_374, %dma_start3A_375] : memref<200x128xf32, #tpu.memory_space<vmem>> -> memref<96x128xf32, #tpu.memory_space<vmem>>
      %dma_start3A_377 = tpu.memref_slice %arg6[%add3A_366] : memref<6400xi32, #tpu.memory_space<vmem>> -> memref<96xi32, #tpu.memory_space<vmem>>
      %dma_start3A_378 = arith.constant 0 : i32
      %dma_start3A_379 = arith.constant 0 : i32
      %dma_start3A_380 = tpu.memref_slice %arg4[%dma_start3A_378, %dma_start3A_379] : memref<100000x128xf32, #tpu.memory_space<hbm>> -> memref<100000x128xf32, #tpu.memory_space<hbm>>
      tpu.enqueue_indirect_dma source(%dma_start3A_380 : memref<100000x128xf32, #tpu.memory_space<hbm>>) target(%dma_start3A_376 : memref<96x128xf32, #tpu.memory_space<vmem>>) offsets(%dma_start3A_377 : memref<96xi32, #tpu.memory_space<vmem>>) semaphore(%arg14 : memref<!tpu.dma_semaphore, #tpu.memory_space<semaphore_mem>>)
      %scan3A_381 = arith.constant 0 : i32
      %scan3A_382 = arith.constant 0 : i32
      %scan3A_383 = arith.constant 200 : i32
      %scan3A_384 = arith.addi %scan3A_382, %scan3A_383 : i32
      %scan3A_385 = arith.constant 1 : i32
      scf.for %scan3A_456 = %scan3A_382 to %scan3A_384 step %scan3A_385  : i32 {
        %mul3A_457 = arith.constant 64 : i32
        %mul3A_458 = arith.muli %scan3A_456, %mul3A_457 : i32
        %add3A_459 = arith.constant 0 : i32
        %add3A_460 = arith.addi %mul3A_458, %add3A_459 : i32
        %get3A = arith.index_cast %add3A_460 : i32 to index
        %get3A_461 = tpu.vector_load %arg7[%get3A] {strides = array<i32>} : memref<12800xf32, #tpu.memory_space<vmem>>, vector<16xf32>,
        %mul3A_462 = arith.constant 64 : i32
        %mul3A_463 = arith.muli %scan3A_456, %mul3A_462 : i32
        %add3A_464 = arith.constant 16 : i32
        %add3A_465 = arith.addi %mul3A_463, %add3A_464 : i32
        %get3A_466 = arith.index_cast %add3A_465 : i32 to index
        %get3A_467 = tpu.vector_load %arg7[%get3A_466] {strides = array<i32>} : memref<12800xf32, #tpu.memory_space<vmem>>, vector<16xf32>,
        %mul3A_468 = arith.constant 64 : i32
        %mul3A_469 = arith.muli %scan3A_456, %mul3A_468 : i32
        %add3A_470 = arith.constant 32 : i32
        %add3A_471 = arith.addi %mul3A_469, %add3A_470 : i32
        %get3A_472 = arith.index_cast %add3A_471 : i32 to index
        %get3A_473 = tpu.vector_load %arg7[%get3A_472] {strides = array<i32>} : memref<12800xf32, #tpu.memory_space<vmem>>, vector<16xf32>,
        %mul3A_474 = arith.constant 64 : i32
        %mul3A_475 = arith.muli %scan3A_456, %mul3A_474 : i32
        %add3A_476 = arith.constant 48 : i32
        %add3A_477 = arith.addi %mul3A_475, %add3A_476 : i32
        %get3A_478 = arith.index_cast %add3A_477 : i32 to index
        %get3A_479 = tpu.vector_load %arg7[%get3A_478] {strides = array<i32>} : memref<12800xf32, #tpu.memory_space<vmem>>, vector<16xf32>,
        %bitcast3A = vector.bitcast %get3A_461 : vector<16xf32> to vector<32xbf16>
        %unpack3A = tpu.unpack_subelements %bitcast3A, 0 {pack_format = #tpu.pack_format<interleaved>} : vector<32xbf16> -> vector<16xf32>
        %unpack3A_480 = tpu.unpack_subelements %bitcast3A, 1 {pack_format = #tpu.pack_format<interleaved>} : vector<32xbf16> -> vector<16xf32>
        %bitcast3A_481 = vector.bitcast %get3A_467 : vector<16xf32> to vector<32xbf16>
        %unpack3A_482 = tpu.unpack_subelements %bitcast3A_481, 0 {pack_format = #tpu.pack_format<interleaved>} : vector<32xbf16> -> vector<16xf32>
        %unpack3A_483 = tpu.unpack_subelements %bitcast3A_481, 1 {pack_format = #tpu.pack_format<interleaved>} : vector<32xbf16> -> vector<16xf32>
        %bitcast3A_484 = vector.bitcast %get3A_473 : vector<16xf32> to vector<32xbf16>
        %unpack3A_485 = tpu.unpack_subelements %bitcast3A_484, 0 {pack_format = #tpu.pack_format<interleaved>} : vector<32xbf16> -> vector<16xf32>
        %unpack3A_486 = tpu.unpack_subelements %bitcast3A_484, 1 {pack_format = #tpu.pack_format<interleaved>} : vector<32xbf16> -> vector<16xf32>
        %bitcast3A_487 = vector.bitcast %get3A_479 : vector<16xf32> to vector<32xbf16>
        %unpack3A_488 = tpu.unpack_subelements %bitcast3A_487, 0 {pack_format = #tpu.pack_format<interleaved>} : vector<32xbf16> -> vector<16xf32>
        %unpack3A_489 = tpu.unpack_subelements %bitcast3A_487, 1 {pack_format = #tpu.pack_format<interleaved>} : vector<32xbf16> -> vector<16xf32>
        %swap3A = arith.index_cast %scan3A_456 : i32 to index
        %swap3A_490 = arith.constant 0 : index
        %swap3A_491 = tpu.vector_load %arg8[%swap3A, %swap3A_490] {strides = array<i32>} : memref<200x128xf32, #tpu.memory_space<vmem>>, vector<16xf32>,
        tpu.vector_store %arg8[%swap3A, %swap3A_490], %unpack3A {add = true, strides = array<i32>} : memref<200x128xf32, #tpu.memory_space<vmem>>, vector<16xf32>,
        %swap3A_492 = arith.index_cast %scan3A_456 : i32 to index
        %swap3A_493 = arith.constant 16 : index
        %swap3A_494 = tpu.vector_load %arg8[%swap3A_492, %swap3A_493] {strides = array<i32>} : memref<200x128xf32, #tpu.memory_space<vmem>>, vector<16xf32>,
        tpu.vector_store %arg8[%swap3A_492, %swap3A_493], %unpack3A_480 {add = true, strides = array<i32>} : memref<200x128xf32, #tpu.memory_space<vmem>>, vector<16xf32>,
        %swap3A_495 = arith.index_cast %scan3A_456 : i32 to index
        %swap3A_496 = arith.constant 32 : index
        %swap3A_497 = tpu.vector_load %arg8[%swap3A_495, %swap3A_496] {strides = array<i32>} : memref<200x128xf32, #tpu.memory_space<vmem>>, vector<16xf32>,
        tpu.vector_store %arg8[%swap3A_495, %swap3A_496], %unpack3A_482 {add = true, strides = array<i32>} : memref<200x128xf32, #tpu.memory_space<vmem>>, vector<16xf32>,
        %swap3A_498 = arith.index_cast %scan3A_456 : i32 to index
        %swap3A_499 = arith.constant 48 : index
        %swap3A_500 = tpu.vector_load %arg8[%swap3A_498, %swap3A_499] {strides = array<i32>} : memref<200x128xf32, #tpu.memory_space<vmem>>, vector<16xf32>,
        tpu.vector_store %arg8[%swap3A_498, %swap3A_499], %unpack3A_483 {add = true, strides = array<i32>} : memref<200x128xf32, #tpu.memory_space<vmem>>, vector<16xf32>,
        %swap3A_501 = arith.index_cast %scan3A_456 : i32 to index
        %swap3A_502 = arith.constant 64 : index
        %swap3A_503 = tpu.vector_load %arg8[%swap3A_501, %swap3A_502] {strides = array<i32>} : memref<200x128xf32, #tpu.memory_space<vmem>>, vector<16xf32>,
        tpu.vector_store %arg8[%swap3A_501, %swap3A_502], %unpack3A_485 {add = true, strides = array<i32>} : memref<200x128xf32, #tpu.memory_space<vmem>>, vector<16xf32>,
        %swap3A_504 = arith.index_cast %scan3A_456 : i32 to index
        %swap3A_505 = arith.constant 80 : index
        %swap3A_506 = tpu.vector_load %arg8[%swap3A_504, %swap3A_505] {strides = array<i32>} : memref<200x128xf32, #tpu.memory_space<vmem>>, vector<16xf32>,
        tpu.vector_store %arg8[%swap3A_504, %swap3A_505], %unpack3A_486 {add = true, strides = array<i32>} : memref<200x128xf32, #tpu.memory_space<vmem>>, vector<16xf32>,
        %swap3A_507 = arith.index_cast %scan3A_456 : i32 to index
        %swap3A_508 = arith.constant 96 : index
        %swap3A_509 = tpu.vector_load %arg8[%swap3A_507, %swap3A_508] {strides = array<i32>} : memref<200x128xf32, #tpu.memory_space<vmem>>, vector<16xf32>,
        tpu.vector_store %arg8[%swap3A_507, %swap3A_508], %unpack3A_488 {add = true, strides = array<i32>} : memref<200x128xf32, #tpu.memory_space<vmem>>, vector<16xf32>,
        %swap3A_510 = arith.index_cast %scan3A_456 : i32 to index
        %swap3A_511 = arith.constant 112 : index
        %swap3A_512 = tpu.vector_load %arg8[%swap3A_510, %swap3A_511] {strides = array<i32>} : memref<200x128xf32, #tpu.memory_space<vmem>>, vector<16xf32>,
        tpu.vector_store %arg8[%swap3A_510, %swap3A_511], %unpack3A_489 {add = true, strides = array<i32>} : memref<200x128xf32, #tpu.memory_space<vmem>>, vector<16xf32>,
      }
      %scan3A_386 = arith.constant 200 : i32
      %mul3A_387 = arith.constant 200 : i32
      %mul3A_388 = arith.muli %add3A_333, %mul3A_387 : i32
      %add3A_389 = arith.addi %mul3A_2, %mul3A_388 : i32
      %dma_start3A_390 = arith.constant 0 : i32
      %dma_start3A_391 = tpu.memref_slice %arg5[%add3A_389, %dma_start3A_390] : memref<204800x128xf32, #tpu.memory_space<hbm>> -> memref<200x128xf32, #tpu.memory_space<hbm>>
      %dma_start3A_392 = arith.constant 0 : i32
      %dma_start3A_393 = tpu.memref_slice %arg5[%add3A_389, %dma_start3A_392] : memref<204800x128xf32, #tpu.memory_space<hbm>> -> memref<200x128xf32, #tpu.memory_space<hbm>>
      tpu.enqueue_dma source(%arg8 : memref<200x128xf32, #tpu.memory_space<vmem>>) target(%dma_start3A_393 : memref<200x128xf32, #tpu.memory_space<hbm>>) target_semaphore(%arg16 : memref<!tpu.dma_semaphore, #tpu.memory_space<semaphore_mem>>)
      %add3A_394 = arith.constant 3 : i32
      %add3A_395 = arith.addi %add3A_210, %add3A_394 : i32
      %mul3A_396 = arith.constant 200 : i32
      %mul3A_397 = arith.muli %add3A_395, %mul3A_396 : i32
      %add3A_398 = arith.constant 104 : i32
      %add3A_399 = arith.addi %mul3A_397, %add3A_398 : i32
      %dma_wait3A_400 = arith.constant 0 : i32
      %dma_wait3A_401 = arith.constant 0 : i32
      %dma_wait3A_402 = tpu.memref_slice %arg9[%dma_wait3A_400, %dma_wait3A_401] : memref<200x128xf32, #tpu.memory_space<vmem>> -> memref<104x128xf32, #tpu.memory_space<vmem>>
      %dma_wait3A_403 = tpu.memref_slice %arg6[%mul3A_397] : memref<6400xi32, #tpu.memory_space<vmem>> -> memref<104xi32, #tpu.memory_space<vmem>>
      %dma_wait3A_404 = arith.constant 0 : i32
      %dma_wait3A_405 = arith.constant 0 : i32
      %dma_wait3A_406 = tpu.memref_slice %arg4[%dma_wait3A_404, %dma_wait3A_405] : memref<100000x128xf32, #tpu.memory_space<hbm>> -> memref<100000x128xf32, #tpu.memory_space<hbm>>
      tpu.wait_indirect_dma semaphore(%arg13 : memref<!tpu.dma_semaphore, #tpu.memory_space<semaphore_mem>>) src(%dma_wait3A_406 : memref<100000x128xf32, #tpu.memory_space<hbm>>) dst(%dma_wait3A_402 : memref<104x128xf32, #tpu.memory_space<vmem>>)
      %dma_wait3A_407 = arith.constant 104 : i32
      %dma_wait3A_408 = arith.constant 0 : i32
      %dma_wait3A_409 = tpu.memref_slice %arg9[%dma_wait3A_407, %dma_wait3A_408] : memref<200x128xf32, #tpu.memory_space<vmem>> -> memref<96x128xf32, #tpu.memory_space<vmem>>
      %dma_wait3A_410 = tpu.memref_slice %arg6[%add3A_399] : memref<6400xi32, #tpu.memory_space<vmem>> -> memref<96xi32, #tpu.memory_space<vmem>>
      %dma_wait3A_411 = arith.constant 0 : i32
      %dma_wait3A_412 = arith.constant 0 : i32
      %dma_wait3A_413 = tpu.memref_slice %arg4[%dma_wait3A_411, %dma_wait3A_412] : memref<100000x128xf32, #tpu.memory_space<hbm>> -> memref<100000x128xf32, #tpu.memory_space<hbm>>
      tpu.wait_indirect_dma semaphore(%arg13 : memref<!tpu.dma_semaphore, #tpu.memory_space<semaphore_mem>>) src(%dma_wait3A_413 : memref<100000x128xf32, #tpu.memory_space<hbm>>) dst(%dma_wait3A_409 : memref<96x128xf32, #tpu.memory_space<vmem>>)
      %sub3A_414 = arith.constant 2 : i32
      %sub3A_415 = arith.subi %add3A_395, %sub3A_414 : i32
      %mul3A_416 = arith.constant 200 : i32
      %mul3A_417 = arith.muli %sub3A_415, %mul3A_416 : i32
      %add3A_418 = arith.addi %mul3A_2, %mul3A_417 : i32
      %dma_wait3A_419 = arith.constant 0 : i32
      %dma_wait3A_420 = tpu.memref_slice %arg5[%add3A_418, %dma_wait3A_419] : memref<204800x128xf32, #tpu.memory_space<hbm>> -> memref<200x128xf32, #tpu.memory_space<hbm>>
      %dma_wait3A_421 = arith.constant 0 : i32
      %dma_wait3A_422 = tpu.memref_slice %arg5[%add3A_418, %dma_wait3A_421] : memref<204800x128xf32, #tpu.memory_space<hbm>> -> memref<200x128xf32, #tpu.memory_space<hbm>>
      tpu.wait_dma2 semaphore(%arg19 : memref<!tpu.dma_semaphore, #tpu.memory_space<semaphore_mem>>) src(%arg11 : memref<200x128xf32, #tpu.memory_space<vmem>>) dst(%dma_wait3A_422 : memref<200x128xf32, #tpu.memory_space<hbm>>)
      %add3A_423 = arith.constant 2 : i32
      %add3A_424 = arith.addi %add3A_395, %add3A_423 : i32
      %mul3A_425 = arith.constant 200 : i32
      %mul3A_426 = arith.muli %add3A_424, %mul3A_425 : i32
      %add3A_427 = arith.constant 104 : i32
      %add3A_428 = arith.addi %mul3A_426, %add3A_427 : i32
      %dma_start3A_429 = arith.constant 0 : i32
      %dma_start3A_430 = arith.constant 0 : i32
      %dma_start3A_431 = tpu.memref_slice %arg11[%dma_start3A_429, %dma_start3A_430] : memref<200x128xf32, #tpu.memory_space<vmem>> -> memref<104x128xf32, #tpu.memory_space<vmem>>
      %dma_start3A_432 = tpu.memref_slice %arg6[%mul3A_426] : memref<6400xi32, #tpu.memory_space<vmem>> -> memref<104xi32, #tpu.memory_space<vmem>>
      %dma_start3A_433 = arith.constant 0 : i32
      %dma_start3A_434 = arith.constant 0 : i32
      %dma_start3A_435 = tpu.memref_slice %arg4[%dma_start3A_433, %dma_start3A_434] : memref<100000x128xf32, #tpu.memory_space<hbm>> -> memref<100000x128xf32, #tpu.memory_space<hbm>>
      tpu.enqueue_indirect_dma source(%dma_start3A_435 : memref<100000x128xf32, #tpu.memory_space<hbm>>) target(%dma_start3A_431 : memref<104x128xf32, #tpu.memory_space<vmem>>) offsets(%dma_start3A_432 : memref<104xi32, #tpu.memory_space<vmem>>) semaphore(%arg15 : memref<!tpu.dma_semaphore, #tpu.memory_space<semaphore_mem>>)
      %dma_start3A_436 = arith.constant 104 : i32
      %dma_start3A_437 = arith.constant 0 : i32
      %dma_start3A_438 = tpu.memref_slice %arg11[%dma_start3A_436, %dma_start3A_437] : memref<200x128xf32, #tpu.memory_space<vmem>> -> memref<96x128xf32, #tpu.memory_space<vmem>>
      %dma_start3A_439 = tpu.memref_slice %arg6[%add3A_428] : memref<6400xi32, #tpu.memory_space<vmem>> -> memref<96xi32, #tpu.memory_space<vmem>>
      %dma_start3A_440 = arith.constant 0 : i32
      %dma_start3A_441 = arith.constant 0 : i32
      %dma_start3A_442 = tpu.memref_slice %arg4[%dma_start3A_440, %dma_start3A_441] : memref<100000x128xf32, #tpu.memory_space<hbm>> -> memref<100000x128xf32, #tpu.memory_space<hbm>>
      tpu.enqueue_indirect_dma source(%dma_start3A_442 : memref<100000x128xf32, #tpu.memory_space<hbm>>) target(%dma_start3A_438 : memref<96x128xf32, #tpu.memory_space<vmem>>) offsets(%dma_start3A_439 : memref<96xi32, #tpu.memory_space<vmem>>) semaphore(%arg15 : memref<!tpu.dma_semaphore, #tpu.memory_space<semaphore_mem>>)
      %scan3A_443 = arith.constant 0 : i32
      %scan3A_444 = arith.constant 0 : i32
      %scan3A_445 = arith.constant 200 : i32
      %scan3A_446 = arith.addi %scan3A_444, %scan3A_445 : i32
      %scan3A_447 = arith.constant 1 : i32
      scf.for %scan3A_456 = %scan3A_444 to %scan3A_446 step %scan3A_447  : i32 {
        %mul3A_457 = arith.constant 64 : i32
        %mul3A_458 = arith.muli %scan3A_456, %mul3A_457 : i32
        %add3A_459 = arith.constant 0 : i32
        %add3A_460 = arith.addi %mul3A_458, %add3A_459 : i32
        %get3A = arith.index_cast %add3A_460 : i32 to index
        %get3A_461 = tpu.vector_load %arg7[%get3A] {strides = array<i32>} : memref<12800xf32, #tpu.memory_space<vmem>>, vector<16xf32>,
        %mul3A_462 = arith.constant 64 : i32
        %mul3A_463 = arith.muli %scan3A_456, %mul3A_462 : i32
        %add3A_464 = arith.constant 16 : i32
        %add3A_465 = arith.addi %mul3A_463, %add3A_464 : i32
        %get3A_466 = arith.index_cast %add3A_465 : i32 to index
        %get3A_467 = tpu.vector_load %arg7[%get3A_466] {strides = array<i32>} : memref<12800xf32, #tpu.memory_space<vmem>>, vector<16xf32>,
        %mul3A_468 = arith.constant 64 : i32
        %mul3A_469 = arith.muli %scan3A_456, %mul3A_468 : i32
        %add3A_470 = arith.constant 32 : i32
        %add3A_471 = arith.addi %mul3A_469, %add3A_470 : i32
        %get3A_472 = arith.index_cast %add3A_471 : i32 to index
        %get3A_473 = tpu.vector_load %arg7[%get3A_472] {strides = array<i32>} : memref<12800xf32, #tpu.memory_space<vmem>>, vector<16xf32>,
        %mul3A_474 = arith.constant 64 : i32
        %mul3A_475 = arith.muli %scan3A_456, %mul3A_474 : i32
        %add3A_476 = arith.constant 48 : i32
        %add3A_477 = arith.addi %mul3A_475, %add3A_476 : i32
        %get3A_478 = arith.index_cast %add3A_477 : i32 to index
        %get3A_479 = tpu.vector_load %arg7[%get3A_478] {strides = array<i32>} : memref<12800xf32, #tpu.memory_space<vmem>>, vector<16xf32>,
        %bitcast3A = vector.bitcast %get3A_461 : vector<16xf32> to vector<32xbf16>
        %unpack3A = tpu.unpack_subelements %bitcast3A, 0 {pack_format = #tpu.pack_format<interleaved>} : vector<32xbf16> -> vector<16xf32>
        %unpack3A_480 = tpu.unpack_subelements %bitcast3A, 1 {pack_format = #tpu.pack_format<interleaved>} : vector<32xbf16> -> vector<16xf32>
        %bitcast3A_481 = vector.bitcast %get3A_467 : vector<16xf32> to vector<32xbf16>
        %unpack3A_482 = tpu.unpack_subelements %bitcast3A_481, 0 {pack_format = #tpu.pack_format<interleaved>} : vector<32xbf16> -> vector<16xf32>
        %unpack3A_483 = tpu.unpack_subelements %bitcast3A_481, 1 {pack_format = #tpu.pack_format<interleaved>} : vector<32xbf16> -> vector<16xf32>
        %bitcast3A_484 = vector.bitcast %get3A_473 : vector<16xf32> to vector<32xbf16>
        %unpack3A_485 = tpu.unpack_subelements %bitcast3A_484, 0 {pack_format = #tpu.pack_format<interleaved>} : vector<32xbf16> -> vector<16xf32>
        %unpack3A_486 = tpu.unpack_subelements %bitcast3A_484, 1 {pack_format = #tpu.pack_format<interleaved>} : vector<32xbf16> -> vector<16xf32>
        %bitcast3A_487 = vector.bitcast %get3A_479 : vector<16xf32> to vector<32xbf16>
        %unpack3A_488 = tpu.unpack_subelements %bitcast3A_487, 0 {pack_format = #tpu.pack_format<interleaved>} : vector<32xbf16> -> vector<16xf32>
        %unpack3A_489 = tpu.unpack_subelements %bitcast3A_487, 1 {pack_format = #tpu.pack_format<interleaved>} : vector<32xbf16> -> vector<16xf32>
        %swap3A = arith.index_cast %scan3A_456 : i32 to index
        %swap3A_490 = arith.constant 0 : index
        %swap3A_491 = tpu.vector_load %arg9[%swap3A, %swap3A_490] {strides = array<i32>} : memref<200x128xf32, #tpu.memory_space<vmem>>, vector<16xf32>,
        tpu.vector_store %arg9[%swap3A, %swap3A_490], %unpack3A {add = true, strides = array<i32>} : memref<200x128xf32, #tpu.memory_space<vmem>>, vector<16xf32>,
        %swap3A_492 = arith.index_cast %scan3A_456 : i32 to index
        %swap3A_493 = arith.constant 16 : index
        %swap3A_494 = tpu.vector_load %arg9[%swap3A_492, %swap3A_493] {strides = array<i32>} : memref<200x128xf32, #tpu.memory_space<vmem>>, vector<16xf32>,
        tpu.vector_store %arg9[%swap3A_492, %swap3A_493], %unpack3A_480 {add = true, strides = array<i32>} : memref<200x128xf32, #tpu.memory_space<vmem>>, vector<16xf32>,
        %swap3A_495 = arith.index_cast %scan3A_456 : i32 to index
        %swap3A_496 = arith.constant 32 : index
        %swap3A_497 = tpu.vector_load %arg9[%swap3A_495, %swap3A_496] {strides = array<i32>} : memref<200x128xf32, #tpu.memory_space<vmem>>, vector<16xf32>,
        tpu.vector_store %arg9[%swap3A_495, %swap3A_496], %unpack3A_482 {add = true, strides = array<i32>} : memref<200x128xf32, #tpu.memory_space<vmem>>, vector<16xf32>,
        %swap3A_498 = arith.index_cast %scan3A_456 : i32 to index
        %swap3A_499 = arith.constant 48 : index
        %swap3A_500 = tpu.vector_load %arg9[%swap3A_498, %swap3A_499] {strides = array<i32>} : memref<200x128xf32, #tpu.memory_space<vmem>>, vector<16xf32>,
        tpu.vector_store %arg9[%swap3A_498, %swap3A_499], %unpack3A_483 {add = true, strides = array<i32>} : memref<200x128xf32, #tpu.memory_space<vmem>>, vector<16xf32>,
        %swap3A_501 = arith.index_cast %scan3A_456 : i32 to index
        %swap3A_502 = arith.constant 64 : index
        %swap3A_503 = tpu.vector_load %arg9[%swap3A_501, %swap3A_502] {strides = array<i32>} : memref<200x128xf32, #tpu.memory_space<vmem>>, vector<16xf32>,
        tpu.vector_store %arg9[%swap3A_501, %swap3A_502], %unpack3A_485 {add = true, strides = array<i32>} : memref<200x128xf32, #tpu.memory_space<vmem>>, vector<16xf32>,
        %swap3A_504 = arith.index_cast %scan3A_456 : i32 to index
        %swap3A_505 = arith.constant 80 : index
        %swap3A_506 = tpu.vector_load %arg9[%swap3A_504, %swap3A_505] {strides = array<i32>} : memref<200x128xf32, #tpu.memory_space<vmem>>, vector<16xf32>,
        tpu.vector_store %arg9[%swap3A_504, %swap3A_505], %unpack3A_486 {add = true, strides = array<i32>} : memref<200x128xf32, #tpu.memory_space<vmem>>, vector<16xf32>,
        %swap3A_507 = arith.index_cast %scan3A_456 : i32 to index
        %swap3A_508 = arith.constant 96 : index
        %swap3A_509 = tpu.vector_load %arg9[%swap3A_507, %swap3A_508] {strides = array<i32>} : memref<200x128xf32, #tpu.memory_space<vmem>>, vector<16xf32>,
        tpu.vector_store %arg9[%swap3A_507, %swap3A_508], %unpack3A_488 {add = true, strides = array<i32>} : memref<200x128xf32, #tpu.memory_space<vmem>>, vector<16xf32>,
        %swap3A_510 = arith.index_cast %scan3A_456 : i32 to index
        %swap3A_511 = arith.constant 112 : index
        %swap3A_512 = tpu.vector_load %arg9[%swap3A_510, %swap3A_511] {strides = array<i32>} : memref<200x128xf32, #tpu.memory_space<vmem>>, vector<16xf32>,
        tpu.vector_store %arg9[%swap3A_510, %swap3A_511], %unpack3A_489 {add = true, strides = array<i32>} : memref<200x128xf32, #tpu.memory_space<vmem>>, vector<16xf32>,
      }
      %scan3A_448 = arith.constant 200 : i32
      %mul3A_449 = arith.constant 200 : i32
      %mul3A_450 = arith.muli %add3A_395, %mul3A_449 : i32
      %add3A_451 = arith.addi %mul3A_2, %mul3A_450 : i32
      %dma_start3A_452 = arith.constant 0 : i32
      %dma_start3A_453 = tpu.memref_slice %arg5[%add3A_451, %dma_start3A_452] : memref<204800x128xf32, #tpu.memory_space<hbm>> -> memref<200x128xf32, #tpu.memory_space<hbm>>
      %dma_start3A_454 = arith.constant 0 : i32
      %dma_start3A_455 = tpu.memref_slice %arg5[%add3A_451, %dma_start3A_454] : memref<204800x128xf32, #tpu.memory_space<hbm>> -> memref<200x128xf32, #tpu.memory_space<hbm>>
      tpu.enqueue_dma source(%arg9 : memref<200x128xf32, #tpu.memory_space<vmem>>) target(%dma_start3A_455 : memref<200x128xf32, #tpu.memory_space<hbm>>) target_semaphore(%arg17 : memref<!tpu.dma_semaphore, #tpu.memory_space<semaphore_mem>>)
    }
    %scan3A_125 = arith.constant 7 : i32
    %dma_wait3A_126 = arith.constant 0 : i32
    %dma_wait3A_127 = arith.constant 0 : i32
    %dma_wait3A_128 = tpu.memref_slice %arg10[%dma_wait3A_126, %dma_wait3A_127] : memref<200x128xf32, #tpu.memory_space<vmem>> -> memref<104x128xf32, #tpu.memory_space<vmem>>
    %dma_wait3A_129 = arith.constant 6000 : i32
    %dma_wait3A_130 = tpu.memref_slice %arg6[%dma_wait3A_129] : memref<6400xi32, #tpu.memory_space<vmem>> -> memref<104xi32, #tpu.memory_space<vmem>>
    %dma_wait3A_131 = arith.constant 0 : i32
    %dma_wait3A_132 = arith.constant 0 : i32
    %dma_wait3A_133 = tpu.memref_slice %arg4[%dma_wait3A_131, %dma_wait3A_132] : memref<100000x128xf32, #tpu.memory_space<hbm>> -> memref<100000x128xf32, #tpu.memory_space<hbm>>
    tpu.wait_indirect_dma semaphore(%arg14 : memref<!tpu.dma_semaphore, #tpu.memory_space<semaphore_mem>>) src(%dma_wait3A_133 : memref<100000x128xf32, #tpu.memory_space<hbm>>) dst(%dma_wait3A_128 : memref<104x128xf32, #tpu.memory_space<vmem>>)
    %dma_wait3A_134 = arith.constant 104 : i32
    %dma_wait3A_135 = arith.constant 0 : i32
    %dma_wait3A_136 = tpu.memref_slice %arg10[%dma_wait3A_134, %dma_wait3A_135] : memref<200x128xf32, #tpu.memory_space<vmem>> -> memref<96x128xf32, #tpu.memory_space<vmem>>
    %dma_wait3A_137 = arith.constant 6104 : i32
    %dma_wait3A_138 = tpu.memref_slice %arg6[%dma_wait3A_137] : memref<6400xi32, #tpu.memory_space<vmem>> -> memref<96xi32, #tpu.memory_space<vmem>>
    %dma_wait3A_139 = arith.constant 0 : i32
    %dma_wait3A_140 = arith.constant 0 : i32
    %dma_wait3A_141 = tpu.memref_slice %arg4[%dma_wait3A_139, %dma_wait3A_140] : memref<100000x128xf32, #tpu.memory_space<hbm>> -> memref<100000x128xf32, #tpu.memory_space<hbm>>
    tpu.wait_indirect_dma semaphore(%arg14 : memref<!tpu.dma_semaphore, #tpu.memory_space<semaphore_mem>>) src(%dma_wait3A_141 : memref<100000x128xf32, #tpu.memory_space<hbm>>) dst(%dma_wait3A_136 : memref<96x128xf32, #tpu.memory_space<vmem>>)
    %add3A_142 = arith.constant 5600 : i32
    %add3A_143 = arith.addi %mul3A_2, %add3A_142 : i32
    %dma_wait3A_144 = arith.constant 0 : i32
    %dma_wait3A_145 = tpu.memref_slice %arg5[%add3A_143, %dma_wait3A_144] : memref<204800x128xf32, #tpu.memory_space<hbm>> -> memref<200x128xf32, #tpu.memory_space<hbm>>
    %dma_wait3A_146 = arith.constant 0 : i32
    %dma_wait3A_147 = tpu.memref_slice %arg5[%add3A_143, %dma_wait3A_146] : memref<204800x128xf32, #tpu.memory_space<hbm>> -> memref<200x128xf32, #tpu.memory_space<hbm>>
    tpu.wait_dma2 semaphore(%arg16 : memref<!tpu.dma_semaphore, #tpu.memory_space<semaphore_mem>>) src(%arg8 : memref<200x128xf32, #tpu.memory_space<vmem>>) dst(%dma_wait3A_147 : memref<200x128xf32, #tpu.memory_space<hbm>>)
    %scan3A_148 = arith.constant 0 : i32
    %scan3A_149 = arith.constant 0 : i32
    %scan3A_150 = arith.constant 200 : i32
    %scan3A_151 = arith.addi %scan3A_149, %scan3A_150 : i32
    %scan3A_152 = arith.constant 1 : i32
    scf.for %scan3A_206 = %scan3A_149 to %scan3A_151 step %scan3A_152  : i32 {
      %mul3A_207 = arith.constant 64 : i32
      %mul3A_208 = arith.muli %scan3A_206, %mul3A_207 : i32
      %add3A_209 = arith.constant 0 : i32
      %add3A_210 = arith.addi %mul3A_208, %add3A_209 : i32
      %get3A = arith.index_cast %add3A_210 : i32 to index
      %get3A_211 = tpu.vector_load %arg7[%get3A] {strides = array<i32>} : memref<12800xf32, #tpu.memory_space<vmem>>, vector<16xf32>,
      %mul3A_212 = arith.constant 64 : i32
      %mul3A_213 = arith.muli %scan3A_206, %mul3A_212 : i32
      %add3A_214 = arith.constant 16 : i32
      %add3A_215 = arith.addi %mul3A_213, %add3A_214 : i32
      %get3A_216 = arith.index_cast %add3A_215 : i32 to index
      %get3A_217 = tpu.vector_load %arg7[%get3A_216] {strides = array<i32>} : memref<12800xf32, #tpu.memory_space<vmem>>, vector<16xf32>,
      %mul3A_218 = arith.constant 64 : i32
      %mul3A_219 = arith.muli %scan3A_206, %mul3A_218 : i32
      %add3A_220 = arith.constant 32 : i32
      %add3A_221 = arith.addi %mul3A_219, %add3A_220 : i32
      %get3A_222 = arith.index_cast %add3A_221 : i32 to index
      %get3A_223 = tpu.vector_load %arg7[%get3A_222] {strides = array<i32>} : memref<12800xf32, #tpu.memory_space<vmem>>, vector<16xf32>,
      %mul3A_224 = arith.constant 64 : i32
      %mul3A_225 = arith.muli %scan3A_206, %mul3A_224 : i32
      %add3A_226 = arith.constant 48 : i32
      %add3A_227 = arith.addi %mul3A_225, %add3A_226 : i32
      %get3A_228 = arith.index_cast %add3A_227 : i32 to index
      %get3A_229 = tpu.vector_load %arg7[%get3A_228] {strides = array<i32>} : memref<12800xf32, #tpu.memory_space<vmem>>, vector<16xf32>,
      %bitcast3A = vector.bitcast %get3A_211 : vector<16xf32> to vector<32xbf16>
      %unpack3A = tpu.unpack_subelements %bitcast3A, 0 {pack_format = #tpu.pack_format<interleaved>} : vector<32xbf16> -> vector<16xf32>
      %unpack3A_230 = tpu.unpack_subelements %bitcast3A, 1 {pack_format = #tpu.pack_format<interleaved>} : vector<32xbf16> -> vector<16xf32>
      %bitcast3A_231 = vector.bitcast %get3A_217 : vector<16xf32> to vector<32xbf16>
      %unpack3A_232 = tpu.unpack_subelements %bitcast3A_231, 0 {pack_format = #tpu.pack_format<interleaved>} : vector<32xbf16> -> vector<16xf32>
      %unpack3A_233 = tpu.unpack_subelements %bitcast3A_231, 1 {pack_format = #tpu.pack_format<interleaved>} : vector<32xbf16> -> vector<16xf32>
      %bitcast3A_234 = vector.bitcast %get3A_223 : vector<16xf32> to vector<32xbf16>
      %unpack3A_235 = tpu.unpack_subelements %bitcast3A_234, 0 {pack_format = #tpu.pack_format<interleaved>} : vector<32xbf16> -> vector<16xf32>
      %unpack3A_236 = tpu.unpack_subelements %bitcast3A_234, 1 {pack_format = #tpu.pack_format<interleaved>} : vector<32xbf16> -> vector<16xf32>
      %bitcast3A_237 = vector.bitcast %get3A_229 : vector<16xf32> to vector<32xbf16>
      %unpack3A_238 = tpu.unpack_subelements %bitcast3A_237, 0 {pack_format = #tpu.pack_format<interleaved>} : vector<32xbf16> -> vector<16xf32>
      %unpack3A_239 = tpu.unpack_subelements %bitcast3A_237, 1 {pack_format = #tpu.pack_format<interleaved>} : vector<32xbf16> -> vector<16xf32>
      %swap3A = arith.index_cast %scan3A_206 : i32 to index
      %swap3A_240 = arith.constant 0 : index
      %swap3A_241 = tpu.vector_load %arg10[%swap3A, %swap3A_240] {strides = array<i32>} : memref<200x128xf32, #tpu.memory_space<vmem>>, vector<16xf32>,
      tpu.vector_store %arg10[%swap3A, %swap3A_240], %unpack3A {add = true, strides = array<i32>} : memref<200x128xf32, #tpu.memory_space<vmem>>, vector<16xf32>,
      %swap3A_242 = arith.index_cast %scan3A_206 : i32 to index
      %swap3A_243 = arith.constant 16 : index
      %swap3A_244 = tpu.vector_load %arg10[%swap3A_242, %swap3A_243] {strides = array<i32>} : memref<200x128xf32, #tpu.memory_space<vmem>>, vector<16xf32>,
      tpu.vector_store %arg10[%swap3A_242, %swap3A_243], %unpack3A_230 {add = true, strides = array<i32>} : memref<200x128xf32, #tpu.memory_space<vmem>>, vector<16xf32>,
      %swap3A_245 = arith.index_cast %scan3A_206 : i32 to index
      %swap3A_246 = arith.constant 32 : index
      %swap3A_247 = tpu.vector_load %arg10[%swap3A_245, %swap3A_246] {strides = array<i32>} : memref<200x128xf32, #tpu.memory_space<vmem>>, vector<16xf32>,
      tpu.vector_store %arg10[%swap3A_245, %swap3A_246], %unpack3A_232 {add = true, strides = array<i32>} : memref<200x128xf32, #tpu.memory_space<vmem>>, vector<16xf32>,
      %swap3A_248 = arith.index_cast %scan3A_206 : i32 to index
      %swap3A_249 = arith.constant 48 : index
      %swap3A_250 = tpu.vector_load %arg10[%swap3A_248, %swap3A_249] {strides = array<i32>} : memref<200x128xf32, #tpu.memory_space<vmem>>, vector<16xf32>,
      tpu.vector_store %arg10[%swap3A_248, %swap3A_249], %unpack3A_233 {add = true, strides = array<i32>} : memref<200x128xf32, #tpu.memory_space<vmem>>, vector<16xf32>,
      %swap3A_251 = arith.index_cast %scan3A_206 : i32 to index
      %swap3A_252 = arith.constant 64 : index
      %swap3A_253 = tpu.vector_load %arg10[%swap3A_251, %swap3A_252] {strides = array<i32>} : memref<200x128xf32, #tpu.memory_space<vmem>>, vector<16xf32>,
      tpu.vector_store %arg10[%swap3A_251, %swap3A_252], %unpack3A_235 {add = true, strides = array<i32>} : memref<200x128xf32, #tpu.memory_space<vmem>>, vector<16xf32>,
      %swap3A_254 = arith.index_cast %scan3A_206 : i32 to index
      %swap3A_255 = arith.constant 80 : index
      %swap3A_256 = tpu.vector_load %arg10[%swap3A_254, %swap3A_255] {strides = array<i32>} : memref<200x128xf32, #tpu.memory_space<vmem>>, vector<16xf32>,
      tpu.vector_store %arg10[%swap3A_254, %swap3A_255], %unpack3A_236 {add = true, strides = array<i32>} : memref<200x128xf32, #tpu.memory_space<vmem>>, vector<16xf32>,
      %swap3A_257 = arith.index_cast %scan3A_206 : i32 to index
      %swap3A_258 = arith.constant 96 : index
      %swap3A_259 = tpu.vector_load %arg10[%swap3A_257, %swap3A_258] {strides = array<i32>} : memref<200x128xf32, #tpu.memory_space<vmem>>, vector<16xf32>,
      tpu.vector_store %arg10[%swap3A_257, %swap3A_258], %unpack3A_238 {add = true, strides = array<i32>} : memref<200x128xf32, #tpu.memory_space<vmem>>, vector<16xf32>,
      %swap3A_260 = arith.index_cast %scan3A_206 : i32 to index
      %swap3A_261 = arith.constant 112 : index
      %swap3A_262 = tpu.vector_load %arg10[%swap3A_260, %swap3A_261] {strides = array<i32>} : memref<200x128xf32, #tpu.memory_space<vmem>>, vector<16xf32>,
      tpu.vector_store %arg10[%swap3A_260, %swap3A_261], %unpack3A_239 {add = true, strides = array<i32>} : memref<200x128xf32, #tpu.memory_space<vmem>>, vector<16xf32>,
    }
    %scan3A_153 = arith.constant 200 : i32
    %add3A_154 = arith.constant 6000 : i32
    %add3A_155 = arith.addi %mul3A_2, %add3A_154 : i32
    %dma_start3A_156 = arith.constant 0 : i32
    %dma_start3A_157 = tpu.memref_slice %arg5[%add3A_155, %dma_start3A_156] : memref<204800x128xf32, #tpu.memory_space<hbm>> -> memref<200x128xf32, #tpu.memory_space<hbm>>
    %dma_start3A_158 = arith.constant 0 : i32
    %dma_start3A_159 = tpu.memref_slice %arg5[%add3A_155, %dma_start3A_158] : memref<204800x128xf32, #tpu.memory_space<hbm>> -> memref<200x128xf32, #tpu.memory_space<hbm>>
    tpu.enqueue_dma source(%arg10 : memref<200x128xf32, #tpu.memory_space<vmem>>) target(%dma_start3A_159 : memref<200x128xf32, #tpu.memory_space<hbm>>) target_semaphore(%arg18 : memref<!tpu.dma_semaphore, #tpu.memory_space<semaphore_mem>>)
    %dma_wait3A_160 = arith.constant 0 : i32
    %dma_wait3A_161 = arith.constant 0 : i32
    %dma_wait3A_162 = tpu.memref_slice %arg11[%dma_wait3A_160, %dma_wait3A_161] : memref<200x128xf32, #tpu.memory_space<vmem>> -> memref<104x128xf32, #tpu.memory_space<vmem>>
    %dma_wait3A_163 = arith.constant 6200 : i32
    %dma_wait3A_164 = tpu.memref_slice %arg6[%dma_wait3A_163] : memref<6400xi32, #tpu.memory_space<vmem>> -> memref<104xi32, #tpu.memory_space<vmem>>
    %dma_wait3A_165 = arith.constant 0 : i32
    %dma_wait3A_166 = arith.constant 0 : i32
    %dma_wait3A_167 = tpu.memref_slice %arg4[%dma_wait3A_165, %dma_wait3A_166] : memref<100000x128xf32, #tpu.memory_space<hbm>> -> memref<100000x128xf32, #tpu.memory_space<hbm>>
    tpu.wait_indirect_dma semaphore(%arg15 : memref<!tpu.dma_semaphore, #tpu.memory_space<semaphore_mem>>) src(%dma_wait3A_167 : memref<100000x128xf32, #tpu.memory_space<hbm>>) dst(%dma_wait3A_162 : memref<104x128xf32, #tpu.memory_space<vmem>>)
    %dma_wait3A_168 = arith.constant 104 : i32
    %dma_wait3A_169 = arith.constant 0 : i32
    %dma_wait3A_170 = tpu.memref_slice %arg11[%dma_wait3A_168, %dma_wait3A_169] : memref<200x128xf32, #tpu.memory_space<vmem>> -> memref<96x128xf32, #tpu.memory_space<vmem>>
    %dma_wait3A_171 = arith.constant 6304 : i32
    %dma_wait3A_172 = tpu.memref_slice %arg6[%dma_wait3A_171] : memref<6400xi32, #tpu.memory_space<vmem>> -> memref<96xi32, #tpu.memory_space<vmem>>
    %dma_wait3A_173 = arith.constant 0 : i32
    %dma_wait3A_174 = arith.constant 0 : i32
    %dma_wait3A_175 = tpu.memref_slice %arg4[%dma_wait3A_173, %dma_wait3A_174] : memref<100000x128xf32, #tpu.memory_space<hbm>> -> memref<100000x128xf32, #tpu.memory_space<hbm>>
    tpu.wait_indirect_dma semaphore(%arg15 : memref<!tpu.dma_semaphore, #tpu.memory_space<semaphore_mem>>) src(%dma_wait3A_175 : memref<100000x128xf32, #tpu.memory_space<hbm>>) dst(%dma_wait3A_170 : memref<96x128xf32, #tpu.memory_space<vmem>>)
    %add3A_176 = arith.constant 5800 : i32
    %add3A_177 = arith.addi %mul3A_2, %add3A_176 : i32
    %dma_wait3A_178 = arith.constant 0 : i32
    %dma_wait3A_179 = tpu.memref_slice %arg5[%add3A_177, %dma_wait3A_178] : memref<204800x128xf32, #tpu.memory_space<hbm>> -> memref<200x128xf32, #tpu.memory_space<hbm>>
    %dma_wait3A_180 = arith.constant 0 : i32
    %dma_wait3A_181 = tpu.memref_slice %arg5[%add3A_177, %dma_wait3A_180] : memref<204800x128xf32, #tpu.memory_space<hbm>> -> memref<200x128xf32, #tpu.memory_space<hbm>>
    tpu.wait_dma2 semaphore(%arg17 : memref<!tpu.dma_semaphore, #tpu.memory_space<semaphore_mem>>) src(%arg9 : memref<200x128xf32, #tpu.memory_space<vmem>>) dst(%dma_wait3A_181 : memref<200x128xf32, #tpu.memory_space<hbm>>)
    %scan3A_182 = arith.constant 0 : i32
    %scan3A_183 = arith.constant 0 : i32
    %scan3A_184 = arith.constant 200 : i32
    %scan3A_185 = arith.addi %scan3A_183, %scan3A_184 : i32
    %scan3A_186 = arith.constant 1 : i32
    scf.for %scan3A_206 = %scan3A_183 to %scan3A_185 step %scan3A_186  : i32 {
      %mul3A_207 = arith.constant 64 : i32
      %mul3A_208 = arith.muli %scan3A_206, %mul3A_207 : i32
      %add3A_209 = arith.constant 0 : i32
      %add3A_210 = arith.addi %mul3A_208, %add3A_209 : i32
      %get3A = arith.index_cast %add3A_210 : i32 to index
      %get3A_211 = tpu.vector_load %arg7[%get3A] {strides = array<i32>} : memref<12800xf32, #tpu.memory_space<vmem>>, vector<16xf32>,
      %mul3A_212 = arith.constant 64 : i32
      %mul3A_213 = arith.muli %scan3A_206, %mul3A_212 : i32
      %add3A_214 = arith.constant 16 : i32
      %add3A_215 = arith.addi %mul3A_213, %add3A_214 : i32
      %get3A_216 = arith.index_cast %add3A_215 : i32 to index
      %get3A_217 = tpu.vector_load %arg7[%get3A_216] {strides = array<i32>} : memref<12800xf32, #tpu.memory_space<vmem>>, vector<16xf32>,
      %mul3A_218 = arith.constant 64 : i32
      %mul3A_219 = arith.muli %scan3A_206, %mul3A_218 : i32
      %add3A_220 = arith.constant 32 : i32
      %add3A_221 = arith.addi %mul3A_219, %add3A_220 : i32
      %get3A_222 = arith.index_cast %add3A_221 : i32 to index
      %get3A_223 = tpu.vector_load %arg7[%get3A_222] {strides = array<i32>} : memref<12800xf32, #tpu.memory_space<vmem>>, vector<16xf32>,
      %mul3A_224 = arith.constant 64 : i32
      %mul3A_225 = arith.muli %scan3A_206, %mul3A_224 : i32
      %add3A_226 = arith.constant 48 : i32
      %add3A_227 = arith.addi %mul3A_225, %add3A_226 : i32
      %get3A_228 = arith.index_cast %add3A_227 : i32 to index
      %get3A_229 = tpu.vector_load %arg7[%get3A_228] {strides = array<i32>} : memref<12800xf32, #tpu.memory_space<vmem>>, vector<16xf32>,
      %bitcast3A = vector.bitcast %get3A_211 : vector<16xf32> to vector<32xbf16>
      %unpack3A = tpu.unpack_subelements %bitcast3A, 0 {pack_format = #tpu.pack_format<interleaved>} : vector<32xbf16> -> vector<16xf32>
      %unpack3A_230 = tpu.unpack_subelements %bitcast3A, 1 {pack_format = #tpu.pack_format<interleaved>} : vector<32xbf16> -> vector<16xf32>
      %bitcast3A_231 = vector.bitcast %get3A_217 : vector<16xf32> to vector<32xbf16>
      %unpack3A_232 = tpu.unpack_subelements %bitcast3A_231, 0 {pack_format = #tpu.pack_format<interleaved>} : vector<32xbf16> -> vector<16xf32>
      %unpack3A_233 = tpu.unpack_subelements %bitcast3A_231, 1 {pack_format = #tpu.pack_format<interleaved>} : vector<32xbf16> -> vector<16xf32>
      %bitcast3A_234 = vector.bitcast %get3A_223 : vector<16xf32> to vector<32xbf16>
      %unpack3A_235 = tpu.unpack_subelements %bitcast3A_234, 0 {pack_format = #tpu.pack_format<interleaved>} : vector<32xbf16> -> vector<16xf32>
      %unpack3A_236 = tpu.unpack_subelements %bitcast3A_234, 1 {pack_format = #tpu.pack_format<interleaved>} : vector<32xbf16> -> vector<16xf32>
      %bitcast3A_237 = vector.bitcast %get3A_229 : vector<16xf32> to vector<32xbf16>
      %unpack3A_238 = tpu.unpack_subelements %bitcast3A_237, 0 {pack_format = #tpu.pack_format<interleaved>} : vector<32xbf16> -> vector<16xf32>
      %unpack3A_239 = tpu.unpack_subelements %bitcast3A_237, 1 {pack_format = #tpu.pack_format<interleaved>} : vector<32xbf16> -> vector<16xf32>
      %swap3A = arith.index_cast %scan3A_206 : i32 to index
      %swap3A_240 = arith.constant 0 : index
      %swap3A_241 = tpu.vector_load %arg11[%swap3A, %swap3A_240] {strides = array<i32>} : memref<200x128xf32, #tpu.memory_space<vmem>>, vector<16xf32>,
      tpu.vector_store %arg11[%swap3A, %swap3A_240], %unpack3A {add = true, strides = array<i32>} : memref<200x128xf32, #tpu.memory_space<vmem>>, vector<16xf32>,
      %swap3A_242 = arith.index_cast %scan3A_206 : i32 to index
      %swap3A_243 = arith.constant 16 : index
      %swap3A_244 = tpu.vector_load %arg11[%swap3A_242, %swap3A_243] {strides = array<i32>} : memref<200x128xf32, #tpu.memory_space<vmem>>, vector<16xf32>,
      tpu.vector_store %arg11[%swap3A_242, %swap3A_243], %unpack3A_230 {add = true, strides = array<i32>} : memref<200x128xf32, #tpu.memory_space<vmem>>, vector<16xf32>,
      %swap3A_245 = arith.index_cast %scan3A_206 : i32 to index
      %swap3A_246 = arith.constant 32 : index
      %swap3A_247 = tpu.vector_load %arg11[%swap3A_245, %swap3A_246] {strides = array<i32>} : memref<200x128xf32, #tpu.memory_space<vmem>>, vector<16xf32>,
      tpu.vector_store %arg11[%swap3A_245, %swap3A_246], %unpack3A_232 {add = true, strides = array<i32>} : memref<200x128xf32, #tpu.memory_space<vmem>>, vector<16xf32>,
      %swap3A_248 = arith.index_cast %scan3A_206 : i32 to index
      %swap3A_249 = arith.constant 48 : index
      %swap3A_250 = tpu.vector_load %arg11[%swap3A_248, %swap3A_249] {strides = array<i32>} : memref<200x128xf32, #tpu.memory_space<vmem>>, vector<16xf32>,
      tpu.vector_store %arg11[%swap3A_248, %swap3A_249], %unpack3A_233 {add = true, strides = array<i32>} : memref<200x128xf32, #tpu.memory_space<vmem>>, vector<16xf32>,
      %swap3A_251 = arith.index_cast %scan3A_206 : i32 to index
      %swap3A_252 = arith.constant 64 : index
      %swap3A_253 = tpu.vector_load %arg11[%swap3A_251, %swap3A_252] {strides = array<i32>} : memref<200x128xf32, #tpu.memory_space<vmem>>, vector<16xf32>,
      tpu.vector_store %arg11[%swap3A_251, %swap3A_252], %unpack3A_235 {add = true, strides = array<i32>} : memref<200x128xf32, #tpu.memory_space<vmem>>, vector<16xf32>,
      %swap3A_254 = arith.index_cast %scan3A_206 : i32 to index
      %swap3A_255 = arith.constant 80 : index
      %swap3A_256 = tpu.vector_load %arg11[%swap3A_254, %swap3A_255] {strides = array<i32>} : memref<200x128xf32, #tpu.memory_space<vmem>>, vector<16xf32>,
      tpu.vector_store %arg11[%swap3A_254, %swap3A_255], %unpack3A_236 {add = true, strides = array<i32>} : memref<200x128xf32, #tpu.memory_space<vmem>>, vector<16xf32>,
      %swap3A_257 = arith.index_cast %scan3A_206 : i32 to index
      %swap3A_258 = arith.constant 96 : index
      %swap3A_259 = tpu.vector_load %arg11[%swap3A_257, %swap3A_258] {strides = array<i32>} : memref<200x128xf32, #tpu.memory_space<vmem>>, vector<16xf32>,
      tpu.vector_store %arg11[%swap3A_257, %swap3A_258], %unpack3A_238 {add = true, strides = array<i32>} : memref<200x128xf32, #tpu.memory_space<vmem>>, vector<16xf32>,
      %swap3A_260 = arith.index_cast %scan3A_206 : i32 to index
      %swap3A_261 = arith.constant 112 : index
      %swap3A_262 = tpu.vector_load %arg11[%swap3A_260, %swap3A_261] {strides = array<i32>} : memref<200x128xf32, #tpu.memory_space<vmem>>, vector<16xf32>,
      tpu.vector_store %arg11[%swap3A_260, %swap3A_261], %unpack3A_239 {add = true, strides = array<i32>} : memref<200x128xf32, #tpu.memory_space<vmem>>, vector<16xf32>,
    }
    %scan3A_187 = arith.constant 200 : i32
    %add3A_188 = arith.constant 6200 : i32
    %add3A_189 = arith.addi %mul3A_2, %add3A_188 : i32
    %dma_start3A_190 = arith.constant 0 : i32
    %dma_start3A_191 = tpu.memref_slice %arg5[%add3A_189, %dma_start3A_190] : memref<204800x128xf32, #tpu.memory_space<hbm>> -> memref<200x128xf32, #tpu.memory_space<hbm>>
    %dma_start3A_192 = arith.constant 0 : i32
    %dma_start3A_193 = tpu.memref_slice %arg5[%add3A_189, %dma_start3A_192] : memref<204800x128xf32, #tpu.memory_space<hbm>> -> memref<200x128xf32, #tpu.memory_space<hbm>>
    tpu.enqueue_dma source(%arg11 : memref<200x128xf32, #tpu.memory_space<vmem>>) target(%dma_start3A_193 : memref<200x128xf32, #tpu.memory_space<hbm>>) target_semaphore(%arg19 : memref<!tpu.dma_semaphore, #tpu.memory_space<semaphore_mem>>)
    %add3A_194 = arith.constant 6000 : i32
    %add3A_195 = arith.addi %mul3A_2, %add3A_194 : i32
    %dma_wait3A_196 = arith.constant 0 : i32
    %dma_wait3A_197 = tpu.memref_slice %arg5[%add3A_195, %dma_wait3A_196] : memref<204800x128xf32, #tpu.memory_space<hbm>> -> memref<200x128xf32, #tpu.memory_space<hbm>>
    %dma_wait3A_198 = arith.constant 0 : i32
    %dma_wait3A_199 = tpu.memref_slice %arg5[%add3A_195, %dma_wait3A_198] : memref<204800x128xf32, #tpu.memory_space<hbm>> -> memref<200x128xf32, #tpu.memory_space<hbm>>
    tpu.wait_dma2 semaphore(%arg18 : memref<!tpu.dma_semaphore, #tpu.memory_space<semaphore_mem>>) src(%arg10 : memref<200x128xf32, #tpu.memory_space<vmem>>) dst(%dma_wait3A_199 : memref<200x128xf32, #tpu.memory_space<hbm>>)
    %add3A_200 = arith.constant 6200 : i32
    %add3A_201 = arith.addi %mul3A_2, %add3A_200 : i32
    %dma_wait3A_202 = arith.constant 0 : i32
    %dma_wait3A_203 = tpu.memref_slice %arg5[%add3A_201, %dma_wait3A_202] : memref<204800x128xf32, #tpu.memory_space<hbm>> -> memref<200x128xf32, #tpu.memory_space<hbm>>
    %dma_wait3A_204 = arith.constant 0 : i32
    %dma_wait3A_205 = tpu.memref_slice %arg5[%add3A_201, %dma_wait3A_204] : memref<204800x128xf32, #tpu.memory_space<hbm>> -> memref<200x128xf32, #tpu.memory_space<hbm>>
    tpu.wait_dma2 semaphore(%arg19 : memref<!tpu.dma_semaphore, #tpu.memory_space<semaphore_mem>>) src(%arg11 : memref<200x128xf32, #tpu.memory_space<vmem>>) dst(%dma_wait3A_205 : memref<200x128xf32, #tpu.memory_space<hbm>>)
    return
  }
}

</mosaic_0001>

<sc_bundles>
// kernel: _pos_emb.3.cloned.1.call-start
scs
__scs_entry_jumppad:
0x0: {  	(pc) =	sbr.rel $0x88, $3  }
0x1: {  	(tag) =	ssettag $0x0;
	lr =	simm.s32 $0x1  }
0x2: {  	[smem:$0x3F9E] =	sst lr;
	_ =	strace $0xD0000000  }
0x3: {  	_ = 	snop  }
0x4: {  	_ = 	snop  }
0x5: {  	_ = 	snop  }
0x6: {  	_ = 	snop  }
0x7: {  	_ = 	snop  }
__scs_overlays_trampoline_lowered:
0x8: {  	[smem:$0x3FAD] =	sst s0  }
0x9: {  	[smem:$0x3FAE] =	sst s1  }
0xa: {  	[smem:$0x3FAF] =	sst s2  }
0xb: {  	[smem:$0x3FB0] =	sst s3  }
0xc: {  	[smem:$0x3FB1] =	sst s4  }
0xd: {  	[smem:$0x3FB2] =	sst s5  }
0xe: {  	[smem:$0x3FB3] =	sst s6  }
0xf: {  	[smem:$0x3FB4] =	sst s7  }
0x10: {  	[smem:$0x3FB5] =	sst s8  }
0x11: {  	[smem:$0x3FB6] =	sst s9;
	s0 =	simm.s32 @!p0 $0x0  }
0x12: {  	s1 =	sld [smem:$0x3F9C];
	s0 =	simm.s32 @p0 $0x1  }
0x13: {  	[smem:$0x3FB7] =	sst s0;
	s0 =	simm.s32 @!p1 $0x0  }
0x14: {  	s2 =	sld [smem:$0x3F9B];
	s0 =	simm.s32 @p1 $0x1  }
0x15: {  	[smem:$0x3FB8] =	sst s0;
	s0 =	simm.s32 @!p2 $0x0  }
0x16: {  	s3 =	sld [smem:$0x3FDB];
	s0 =	simm.s32 @p2 $0x1  }
0x17: {  	s4 =	simm.s32 $0x1BF5;
	[smem:$0x3FBA] =	sst s0  }
0x18: {  	s0 =	sld [smem:$0x3F9D];
	_ =	swait.ge [sflag:s4], $0x0  }
0x19: {  	s7 =	sld [smem:$0x3F9E]  }
0x1a: {  	s8 =	sadd.s32 $0xFFFFE003, lr  }
0x1b: {  	s9 =	sadd.s32 $0xFFFFFEF7, lr;
	s5 =	simm.s32 $0xFFFFFFFF;
	p2 =	slt.u32 s8, $0xFFFFF086  }
0x1c: {  	p1 =	slt.u32 s9, $0xF7A;
	s5 =	simm.s32 @!p2 $0x0  }
0x1d: {  	s5 =	simm.s32 @p1 $0x1;
	p0 =	seq.s32 s7, s2  }
0x1e: {  	s7 =	smul.u32 @!p0 $0xF7A, s2;
	p2 =	seq.s32 @!p0 s5, $0x0  }
0x1f: {  	s9 =	smul.u32 $0xF7A, s1;
	s8 =	simm.s32 @!p0 $0x1BF5;
	p2 =	por !p2, p0  }
0x20: {  	[sflag:s8] =	ssyncset.s32 @!p0 $0xFFFFF086;
	s6 =	sadd.s32 @!p0 s3, s7;
	s7 =	simm.s32 @!p0 $0x108  }
0x21: {  	s3 =	sadd.s32 s3, s9;
	s6 =	sadd.s32 @!p0 $0x88, s6;
	s7 =	simm.s32 @p2 $0x1082  }
0x22: {  	[simem:s7], [sflag:s8] =	dma.local @!p0 [hbm:s6], $0xF7A  }
0x23: {  	s9 =	sor.u32 $0xD0000000, s2;
	s6 =	simm.s32 $0x108;
	_ =	swait.ge @!p0 [sflag:s8], $0x0  }
0x24: {  	s3 =	sadd.s32 $0x88, s3;
	s6 =	simm.s32 @!p1 $0x1082;
	[sflag:s4] =	ssyncset.s32 $0xFFFFF086  }
0x25: {  	[simem:s6], [sflag:s4] =	dma.local [hbm:s3], $0xF7A  }
0x26: {  	[smem:$0x3F9E] =	sst s1;
	(tag) =	ssettag s2;
	_ =	strace s9  }
0x27: {  	s1 =	sld [smem:$0x3FAE]  }
0x28: {  	s2 =	sld [smem:$0x3FAF]  }
0x29: {  	s4 =	sld [smem:$0x3FB1]  }
0x2a: {  	p0 =	seq.s32 s5, $0x0;
	s5 =	sld [smem:$0x3FB2]  }
0x2b: {  	s6 =	sld [smem:$0x3FB3]  }
0x2c: {  	s7 =	sld [smem:$0x3FB4]  }
0x2d: {  	s3 =	simm.s32 $0x108;
	s8 =	sld [smem:$0x3FB5]  }
0x2e: {  	s3 =	simm.s32 @!p0 $0x1082;
	s9 =	sld [smem:$0x3FB6]  }
0x2f: {  	lr =	sadd.s32 s0, s3;
	s0 =	sld [smem:$0x3FAD]  }
0x30: {  	s3 =	sld [smem:$0x3FB0]  }
0x31: {  	[smem:$0x3FB9] =	sst s10  }
0x32: {  	s10 =	sld [smem:$0x3FB7];
	_ =	sdelay $0x3  }
0x33: {  	p0 =	seq.s32 s10, $0x1;
	s10 =	sld [smem:$0x3FB9];
	_ =	sdelay $0x3  }
0x34: {  	[smem:$0x3FB9] =	sst s10  }
0x35: {  	s10 =	sld [smem:$0x3FB8];
	_ =	sdelay $0x3  }
0x36: {  	p1 =	seq.s32 s10, $0x1;
	s10 =	sld [smem:$0x3FB9];
	_ =	sdelay $0x3  }
0x37: {  	[smem:$0x3FB9] =	sst s10  }
0x38: {  	s10 =	sld [smem:$0x3FBA]  }
0x39: {  	_ = 	snop;
	(pc) =	sbr.ind lr, $3  }
0x3a: {  	_ = 	snop  }
0x3b: {  	_ = 	snop  }
0x3c: {  	p2 =	seq.s32 s10, $0x1;
	s10 =	sld [smem:$0x3FB9]  }
0x3d: {  	_ =	shalt  }
0x3e: {  	_ =	shalt  }
0x3f: {  	_ =	shalt  }
0x40: {  	_ =	shalt  }
0x41: {  	_ =	shalt  }
0x42: {  	_ =	shalt  }
0x43: {  	_ =	shalt  }
0x44: {  	_ =	shalt  }
0x45: {  	_ =	shalt  }
0x46: {  	_ =	shalt  }
0x47: {  	_ =	shalt  }
0x48: {  	_ =	shalt  }
0x49: {  	_ =	shalt  }
0x4a: {  	_ =	shalt  }
0x4b: {  	_ =	shalt  }
0x4c: {  	_ =	shalt  }
0x4d: {  	_ =	shalt  }
0x4e: {  	_ =	shalt  }
0x4f: {  	_ =	shalt  }
0x50: {  	_ =	shalt  }
0x51: {  	_ =	shalt  }
0x52: {  	_ =	shalt  }
0x53: {  	_ =	shalt  }
0x54: {  	_ =	shalt  }
0x55: {  	_ =	shalt  }
0x56: {  	_ =	shalt  }
0x57: {  	_ =	shalt  }
0x58: {  	_ =	shalt  }
0x59: {  	_ =	shalt  }
0x5a: {  	_ =	shalt  }
0x5b: {  	_ =	shalt  }
0x5c: {  	_ =	shalt  }
0x5d: {  	_ =	shalt  }
0x5e: {  	_ =	shalt  }
0x5f: {  	_ =	shalt  }
0x60: {  	_ =	shalt  }
0x61: {  	_ =	shalt  }
0x62: {  	_ =	shalt  }
0x63: {  	_ =	shalt  }
0x64: {  	_ =	shalt  }
0x65: {  	_ =	shalt  }
0x66: {  	_ =	shalt  }
0x67: {  	_ =	shalt  }
0x68: {  	_ =	shalt  }
0x69: {  	_ =	shalt  }
0x6a: {  	_ =	shalt  }
0x6b: {  	_ =	shalt  }
0x6c: {  	_ =	shalt  }
0x6d: {  	_ =	shalt  }
0x6e: {  	_ =	shalt  }
0x6f: {  	_ =	shalt  }
0x70: {  	_ =	shalt  }
0x71: {  	_ =	shalt  }
0x72: {  	_ =	shalt  }
0x73: {  	_ =	shalt  }
0x74: {  	_ =	shalt  }
0x75: {  	_ =	shalt  }
0x76: {  	_ =	shalt  }
0x77: {  	_ =	shalt  }
0x78: {  	_ =	shalt  }
0x79: {  	_ =	shalt  }
0x7a: {  	_ =	shalt  }
0x7b: {  	_ =	shalt  }
0x7c: {  	_ =	shalt  }
0x7d: {  	_ =	shalt  }
0x7e: {  	_ =	shalt  }
0x7f: {  	_ =	shalt  }
0x80: {  	_ =	shalt  }
0x81: {  	_ =	shalt  }
0x82: {  	_ =	shalt  }
0x83: {  	_ =	shalt  }
0x84: {  	_ =	shalt  }
0x85: {  	_ =	shalt  }
0x86: {  	_ =	shalt  }
0x87: {  	_ =	shalt  }
.Lfunc_end0:
.L_simem_size_0:
called_computation_lowered:
.L_overlay_start_0:
0x88: {  	s2 =	sld [smem:$0x3FD9]  }
0x89: {  	s3 =	sld [smem:$0x3FFE];
	_ =	sdelay $0x1  }
0x8a: {  	s1 =	srdreg.scid  }
0x8b: {  	s0 =	sand.u32 $0x1, s1  }
0x8c: {  	s18 =	sshll.u32 s0, $0xA;
	s2 =	sadd.s32 s3, s2  }
0x8d: {  	s2 =	sadd.s32 s2, s18  }
0x8e: {  	[smem:$0x3FC5] =	sst s2  }
0x8f: {  	_ = 	snop  }
0x90: {  	s2 =	sld [smem:$0x3FC9]  }
0x91: {  	s19 =	sld [smem:$0x3FC8]  }
0x92: {  	s4 =	sld [smem:$0x3FC7]  }
0x93: {  	s5 =	sld [smem:$0x3FD0];
	(tm) =	ssettm $0x1  }
0x94: {  	s6 =	sld [smem:$0x3FFB];
	_ =	sdelay $0x3  }
0x95: {  	_ =	strace s6  }
0x96: {  	s6 =	sld [smem:$0x3FFC];
	_ =	sdelay $0x3  }
0x97: {  	_ =	strace s6  }
0x98: {  	s6 =	sld [smem:$0x3FFD];
	_ =	sdelay $0x3  }
0x99: {  	_ =	strace s6  }
0x9a: {  	_ =	strace $0x8FFFFFFF  }
0x9b: {  	s20 =	sld [smem:$0x3FDB];
	_ =	sdelay $0x1  }
0x9c: {  	s7 =	simm.s32 $_scs_section_size  }
0x9d: {  	s8 =	simm.s32 $_size__tile_overlayer_lowered;
	s9 =	simm.s32 $_tile_overlayer_lowered  }
0x9e: {  	s23 =	simm.s32 $0x1BFF;
	s22 =	sshll.u32 s9, $0x1;
	s6 =	sadd.s32 s7, s20  }
0x9f: {  	s10 =	simm.s32 $0x0;
	s21 =	sshll.u32 s8, $0x1;
	s8 =	sadd.s32 s22, s6  }
0xa0: {  	[timem:s10], [sflag:s23] =	dma.local [hbm:s8], s21  }
0xa1: {  	_ =	swait.ge [sflag:s23], s21  }
0xa2: {  	s7 =	ssub.s32 $0x0, s21;
	[sflag:s23] =	ssyncset.done $0x0  }
0xa3: {  	[sflag:s23] =	ssyncadd.s32 s7;
	_ =	sdelay $0x1  }
0xa4: {  	s24 =	simm.s32 $0x1B8B  }
0xa5: {  	_ =	swait.ge [sflag:s24], $0x1  }
0xa6: {  	[sflag:s24] =	ssyncset.done $0x0  }
0xa7: {  	s25 =	simm.s32 $0x1B8E;
	[sflag:s24] =	ssyncadd.s32 $0xFFFFFFFF  }
0xa8: {  	s26 =	simm.s32 $execute0_lowered;
	[smem:$0x3FD2] =	sst s25  }
0xa9: {  	s7 =	sshll.u32 s26, $0x1;
	_ =	strace $0x80000046;
	[dreg:$0x1] =	wrdreg $0xFFFFFFFF  }
0xaa: {  	s28 =	simm.s32 $_size_execute0_lowered;
	s6 =	sadd.s32 s6, s7;
	[dreg:$0x0] =	wrdreg $0x0  }
0xab: {  	s7 =	sshll.u32 s28, $0x1;
	[dreg:$0x2] =	wrdreg s6  }
0xac: {  	[dreg:$0x3] =	wrdreg s7  }
0xad: {  	[dreg:$0x4] =	wrdreg $0xC0  }
0xae: {  	_ =	task [dreg:s10], $0x5FFFF  }
0xaf: {  	[dreg:$0x1] =	wrdreg $0xFFFFFFFF  }
0xb0: {  	[dreg:$0x0] =	wrdreg $0x60  }
0xb1: {  	[dreg:$0x2] =	wrdreg s2  }
0xb2: {  	[dreg:$0x3] =	wrdreg s19  }
0xb3: {  	[dreg:$0x4] =	wrdreg s4  }
0xb4: {  	[dreg:$0x5] =	wrdreg s5  }
0xb5: {  	[dreg:$0x6] =	wrdreg $0x9  }
0xb6: {  	_ =	task.clear_ibuf [dreg:s10], $0x7FFFF;
	_ =	strace $0x90000046  }
0xb7: {  	s29 =	simm.s32 $0x9;
	_ =	strace $0x80000048  }
0xb8: {  	_ =	swait.ge [sflag:s29], $0x1  }
0xb9: {  	[sflag:s29] =	ssyncadd.s32 $0xFFFFFFFF  }
0xba: {  	_ =	strace $0x90000048  }
0xbb: {  	_ =	sfence  }
0xbc: {  	s30 =	sld [smem:$0x0];
	_ =	sdelay $0x2  }
0xbd: {  	s31 =	sshll.u32 s1, $0xD;
	s1 =	sshrl.u32 s1, $0x2  }
0xbe: {  	s3 =	sand.u32 $0x4000, s31;
	s1 =	sadd.s32 s1, s30  }
0xbf: {  	s0 =	sor.u32 s3, s0;
	s1 =	sshll.u32 s1, $0x11  }
0xc0: {  	s0 =	sor.u32 s1, s0  }
0xc1: {  	s0 =	sadd.s32 $0x8F2B, s0  }
0xc2: {  	[sflag:s0] =	ssyncadd.remote.s32 $0x1  }
0xc3: {  	_ =	sfence.sel $0xFFFF  }
0xc4: {  	[dreg:$0x0] =	wrdreg $0xFFFFFFFF;
	(pc) =	sbr.abs _section_cstart, $3  }
0xc5: {  	[dreg:$0x1] =	wrdreg $0xFFFFFFFF  }
0xc6: {  	_ =	task.clear_ibuf [dreg:s10], $0x2FFFF;
	_ =	strace $0x9FFFFFFF  }
0xc7: {  	(tm) =	ssettm $0x7FFFFFFF  }
tec
execute0_lowered:
.L_overlay_start_1:
0x0: {  	(tag) =	ssettag $0x1  }
0x1: {  	s0 =	rddreg [dreg:$0x0];
	s1 =	srdreg.scid  }
0x2: {  	s2 =	stileid.u32;
	s3 =	rddreg [dreg:$0x2]  }
0x3: {  	s4 =	rddreg [dreg:$0x3];
	s5 =	simm.s32 $0x0;
	s17 =	simm.s32 $0x68  }
0x4: {  	s18 =	simm.s32 $0x4B00;
	s19 =	simm.s32 $0x60;
	s28 =	simm.s32 $0x11300  }
0x5: {  	s30 =	simm.s32 $0x14700;
	s1 =	sand.u32 $0x1, s1;
	s2 =	sshll.u32 s2, $0x1  }
0x6: {  	s31 =	simm.s32 $0x2;
	s16 =	simm.s32 $0x1AB00;
	s2 =	sor.u32 s1, s2  }
0x7: {  	s21 =	simm.s32 $0x3;
	s29 =	simm.s32 $0x6;
	s6 =	smul.u32 $0x1900, s2  }
0x8: {  	[smem:$0x7FF] =	sst s5;
	s1 =	ssub.s32 $0x2, s1;
	s7 =	smul.u32 $0x19000, s2  }
0x9: {  	_ =	strace $0x80000047;
	s8 =	sshrl.u32 s1, $0x1;
	s2 =	smul.u32 $0xC8000, s2  }
0xa: {  	s1 =	ssub.s32 s1, s8;
	s8 =	simm.s32 $0x0;
	s22 =	sshrl.u32 s6, $0x3  }
0xb: {  	s7 =	sadd.s32 s4, s7;
	s24 =	sshrl.u32 s2, $0x3;
	s10 =	sadd.s32 $0x190, s6  }
0xc: {  	s11 =	sadd.s32 $0x258, s6;
	s26 =	smax.u32 s1, $0x1;
	s2 =	simm.s32 $0x7  }
0xd: {  	s1 =	simm.s32 $0x8;
	s0 =	sadd.s32 s0, s22;
	[dreg:$0x5] =	wrdreg s7  }
0xe: {  	s23 =	sadd.s32 $0xC80, s7;
	[dreg:$0xa] =	wrdreg s26;
	s22 =	simm.s32 $0xAF00  }
0xf: {  	s26 =	simm.s32 $0x4;
	[dreg:$0x6] =	wrdreg s0;
	s0 =	sadd.s32 s4, s24  }
0x10: {  	[dreg:$0x7] =	wrdreg s23;
	s24 =	simm.s32 $0xE300;
	s25 =	sadd.s32 $0x17700, s0  }
0x11: {  	s23 =	simm.s32 $0x5;
	s0 =	sadd.s32 $0x18380, s0;
	[dreg:$0x8] =	wrdreg s25  }
0x12: {  	[dreg:$0x9] =	wrdreg s0;
	s25 =	simm.s32 $0x1;
	s0 =	simm.s32 $0x17700  }
.LBB2_1:
0x13: {  	[dreg:$0xb] =	wrdreg s8  }
0x14: {  	s7 =	rddreg [dreg:$0x6];
	s15 =	simm.s32 $0x9  }
0x15: {  	[tilespmem:s5], [sflag:$0x9] =	stream.linear.gather [hbm4b:s7+s5], $0x1900, $0x38;
	[tilespmem:$0x1DB00] =	vst v63  }
0x16: {  	_ =	swait.ge [sflag:s15], $0x1900  }
0x17: {  	[sflag:s15] =	ssyncset.done $0x0  }
0x18: {  	[sflag:s15] =	ssyncadd.s32 $0xFFFFE700  }
0x19: {  	s9 =	simm.s32 $0x1900;
	s20 =	rddreg [dreg:$0x1]  }
0x1a: {  	[tilespmem:s9], [sflag:$0x9] =	stream.linear.gather [hbm4b:s20+s5], $0x3200, $0x38;
	[tilespmem:$0x1DB00] =	vst v63  }
0x1b: {  	_ =	swait.ge [sflag:s15], $0x3200  }
0x1c: {  	[sflag:s15] =	ssyncset.done $0x0  }
0x1d: {  	[sflag:s15] =	ssyncadd.s32 $0xFFFFCE00  }
0x1e: {  	[tilespmem:s18], [sflag:$0x1] =	stream.indirect.gather [hbm4b:s3+s17], $0x80, s5, s17, $0xb8;
	[tilespmem:$0x1DB00] =	vst v63  }
0x1f: {  	s12 =	simm.s32 $0x7F00  }
0x20: {  	[tilespmem:s12], [sflag:$0x1] =	stream.indirect.gather [hbm4b:s3+s19], $0x80, s17, s19, $0xb8;
	[tilespmem:$0x1DB00] =	vst v63  }
0x21: {  	s13 =	simm.s32 $0xC8  }
0x22: {  	[tilespmem:s22], [sflag:$0x2] =	stream.indirect.gather [hbm4b:s3+s17], $0x80, s13, s17, $0xb8;
	[tilespmem:$0x1DB00] =	vst v63  }
0x23: {  	s14 =	simm.s32 $0x130  }
0x24: {  	[tilespmem:s24], [sflag:$0x2] =	stream.indirect.gather [hbm4b:s3+s19], $0x80, s14, s19, $0xb8;
	[tilespmem:$0x1DB00] =	vst v63  }
0x25: {  	_ =	swait.ge [sflag:s25], $0x3400  }
0x26: {  	[sflag:s25] =	ssyncset.done $0x0  }
0x27: {  	[sflag:s25] =	ssyncadd.s32 $0xFFFFCC00  }
0x28: {  	_ =	swait.ge [sflag:s25], $0x3000  }
0x29: {  	[sflag:s25] =	ssyncset.done $0x0  }
0x2a: {  	s15 =	simm.s32 $0x190;
	[sflag:s25] =	ssyncadd.s32 $0xFFFFD000  }
0x2b: {  	[tilespmem:s28], [sflag:$0x3] =	stream.indirect.gather [hbm4b:s3+s17], $0x80, s15, s17, $0xb8;
	[tilespmem:$0x1DB00] =	vst v63  }
0x2c: {  	s20 =	simm.s32 $0x1F8;
	s9 =	simm.s32 $0x1920  }
0x2d: {  	[tilespmem:s30], [sflag:$0x3] =	stream.indirect.gather [hbm4b:s3+s19], $0x80, s20, s19, $0xb8;
	[tilespmem:$0x1DB00] =	vst v63  }
0x2e: {  	v0 =	vld [tilespmem:s9+$0xFFFFFFE0];
	_ =	sdelay $0x1  }
0x2f: {  	v1 =	vld [tilespmem:s9+$0x0]  }
0x30: {  	v2 =	vld [tilespmem:s9+$0x10];
	_ =	sdelay $0x1  }
0x31: {  	s7 =	simm.s32 $0x0;
	v3 =	vld [tilespmem:s9+$0xFFFFFFF0];
	v4 =	vunpack.i.l.bf16.f32 v0  }
0x32: {  	v0 =	vunpack.i.u.bf16.f32 v0;
	[tilespmem:s7+$0x4B00] =	vst.add.f32.msk $0xffff, v4  }
0x33: {  	v62 =	vunpack.i.u.bf16.f32 v1;
	[tilespmem:s7+$0x4B10] =	vst.add.f32.msk $0xffff, v0  }
0x34: {  	v63 =	vunpack.i.l.bf16.f32 v2;
	[tilespmem:s7+$0x4B50] =	vst.add.f32.msk $0xffff, v62  }
0x35: {  	v0 =	vunpack.i.l.bf16.f32 v1;
	[tilespmem:s7+$0x4B60] =	vst.add.f32.msk $0xffff, v63  }
0x36: {  	s12 =	simm.s32 $0x200;
	v2 =	vunpack.i.u.bf16.f32 v2;
	v1 =	vunpack.i.u.bf16.f32 v3;
	[tilespmem:s7+$0x4B40] =	vst.add.f32.msk $0xffff, v0;
	v0 =	vunpack.i.l.bf16.f32 v3  }
.LBB2_2:
0x37: {  	p0 =	sne.s32 s12, $0x18E00  }
0x38: {  	[tilespmem:s7+$0x4B70] =	vst.add.f32.msk $0xffff, v2;
	s9 =	sadd.s32 $0x40, s9;
	s8 =	smov.u32 s12;
	s12 =	sadd.s32 $0x200, s12  }
0x39: {  	[tilespmem:s7+$0x4B30] =	vst.add.f32.msk $0xffff, v1  }
0x3a: {  	[tilespmem:s7+$0x4B20] =	vst.add.f32.msk $0xffff, v0  }
0x3b: {  	v0 =	vld [tilespmem:s9+$0xFFFFFFE0];
	_ =	sdelay $0x1  }
0x3c: {  	v1 =	vld [tilespmem:s9+$0x0];
	_ =	sdelay $0x1  }
0x3d: {  	v3 =	vld [tilespmem:s9+$0x10]  }
0x3e: {  	s7 =	sshra.s32 s8, $0x2;
	v4 =	vld [tilespmem:s9+$0xFFFFFFF0];
	v2 =	vunpack.i.l.bf16.f32 v0  }
.Ltmp0:
0x3f: {  	v0 =	vunpack.i.u.bf16.f32 v0;
	[tilespmem:s7+$0x4B00] =	vst.add.f32.msk $0xffff, v2;
	(pc) =	sbr.rel @p0 .LBB2_2-.Ltmp0, $4  }
0x40: {  	v2 =	vunpack.i.u.bf16.f32 v1;
	[tilespmem:s7+$0x4B10] =	vst.add.f32.msk $0xffff, v0  }
0x41: {  	v0 =	vunpack.i.l.bf16.f32 v1;
	[tilespmem:s7+$0x4B50] =	vst.add.f32.msk $0xffff, v2  }
0x42: {  	v2 =	vunpack.i.u.bf16.f32 v3;
	v3 =	vunpack.i.l.bf16.f32 v3;
	[tilespmem:s7+$0x4B40] =	vst.add.f32.msk $0xffff, v0  }
0x43: {  	v1 =	vunpack.i.u.bf16.f32 v4;
	v0 =	vunpack.i.l.bf16.f32 v4;
	[tilespmem:s7+$0x4B60] =	vst.add.f32.msk $0xffff, v3  }
0x44: {  	[tilespmem:s7+$0x4B70] =	vst.add.f32.msk $0xffff, v2  }
0x45: {  	[tilespmem:s7+$0x4B30] =	vst.add.f32.msk $0xffff, v1  }
0x46: {  	[tilespmem:s7+$0x4B20] =	vst.add.f32.msk $0xffff, v0;
	s14 =	simm.s32 $0x0;
	s8 =	rddreg [dreg:$0x5]  }
0x47: {  	[hbm4b:s8+s14] =	stream.linear.scatter [tilespmem:s18], [sflag:$0x5], $0x6400, $0x38;
	[tilespmem:$0x1DB00] =	vst v63  }
0x48: {  	_ =	swait.ge [sflag:s31], $0x3400  }
0x49: {  	[sflag:s31] =	ssyncset.done $0x0  }
0x4a: {  	[sflag:s31] =	ssyncadd.s32 $0xFFFFCC00  }
0x4b: {  	_ =	swait.ge [sflag:s31], $0x3000  }
0x4c: {  	[sflag:s31] =	ssyncset.done $0x0  }
0x4d: {  	s15 =	simm.s32 $0x258;
	[sflag:s31] =	ssyncadd.s32 $0xFFFFD000  }
0x4e: {  	[tilespmem:s0], [sflag:$0x4] =	stream.indirect.gather [hbm4b:s3+s17], $0x80, s15, s17, $0xb8;
	[tilespmem:$0x1DB00] =	vst v63  }
0x4f: {  	s20 =	simm.s32 $0x2C0;
	s9 =	simm.s32 $0x1920  }
0x50: {  	[tilespmem:s16], [sflag:$0x4] =	stream.indirect.gather [hbm4b:s3+s19], $0x80, s20, s19, $0xb8;
	[tilespmem:$0x1DB00] =	vst v63  }
0x51: {  	v0 =	vld [tilespmem:s9+$0xFFFFFFE0];
	_ =	sdelay $0x1  }
0x52: {  	v1 =	vld [tilespmem:s9+$0x0]  }
0x53: {  	v2 =	vld [tilespmem:s9+$0x10];
	_ =	sdelay $0x1  }
0x54: {  	s7 =	simm.s32 $0x0;
	v3 =	vld [tilespmem:s9+$0xFFFFFFF0];
	v4 =	vunpack.i.l.bf16.f32 v0  }
0x55: {  	v0 =	vunpack.i.u.bf16.f32 v0;
	[tilespmem:s7+$0xAF00] =	vst.add.f32.msk $0xffff, v4  }
0x56: {  	v62 =	vunpack.i.u.bf16.f32 v1;
	[tilespmem:s7+$0xAF10] =	vst.add.f32.msk $0xffff, v0  }
0x57: {  	v63 =	vunpack.i.l.bf16.f32 v2;
	[tilespmem:s7+$0xAF50] =	vst.add.f32.msk $0xffff, v62  }
0x58: {  	v0 =	vunpack.i.l.bf16.f32 v1;
	[tilespmem:s7+$0xAF60] =	vst.add.f32.msk $0xffff, v63  }
0x59: {  	s12 =	simm.s32 $0x200;
	v2 =	vunpack.i.u.bf16.f32 v2;
	v1 =	vunpack.i.u.bf16.f32 v3;
	[tilespmem:s7+$0xAF40] =	vst.add.f32.msk $0xffff, v0;
	v0 =	vunpack.i.l.bf16.f32 v3  }
.LBB2_4:
0x5a: {  	p0 =	sne.s32 s12, $0x18E00  }
0x5b: {  	[tilespmem:s7+$0xAF70] =	vst.add.f32.msk $0xffff, v2;
	s9 =	sadd.s32 $0x40, s9;
	s8 =	smov.u32 s12;
	s12 =	sadd.s32 $0x200, s12  }
0x5c: {  	[tilespmem:s7+$0xAF30] =	vst.add.f32.msk $0xffff, v1  }
0x5d: {  	[tilespmem:s7+$0xAF20] =	vst.add.f32.msk $0xffff, v0  }
0x5e: {  	v0 =	vld [tilespmem:s9+$0xFFFFFFE0];
	_ =	sdelay $0x1  }
0x5f: {  	v1 =	vld [tilespmem:s9+$0x0];
	_ =	sdelay $0x1  }
0x60: {  	v3 =	vld [tilespmem:s9+$0x10]  }
0x61: {  	s7 =	sshra.s32 s8, $0x2;
	v4 =	vld [tilespmem:s9+$0xFFFFFFF0];
	v2 =	vunpack.i.l.bf16.f32 v0  }
.Ltmp1:
0x62: {  	v0 =	vunpack.i.u.bf16.f32 v0;
	[tilespmem:s7+$0xAF00] =	vst.add.f32.msk $0xffff, v2;
	(pc) =	sbr.rel @p0 .LBB2_4-.Ltmp1, $4  }
0x63: {  	v2 =	vunpack.i.u.bf16.f32 v1;
	[tilespmem:s7+$0xAF10] =	vst.add.f32.msk $0xffff, v0  }
0x64: {  	v0 =	vunpack.i.l.bf16.f32 v1;
	[tilespmem:s7+$0xAF50] =	vst.add.f32.msk $0xffff, v2  }
0x65: {  	v2 =	vunpack.i.u.bf16.f32 v3;
	v3 =	vunpack.i.l.bf16.f32 v3;
	[tilespmem:s7+$0xAF40] =	vst.add.f32.msk $0xffff, v0  }
0x66: {  	v1 =	vunpack.i.u.bf16.f32 v4;
	v0 =	vunpack.i.l.bf16.f32 v4;
	[tilespmem:s7+$0xAF60] =	vst.add.f32.msk $0xffff, v3  }
0x67: {  	[tilespmem:s7+$0xAF70] =	vst.add.f32.msk $0xffff, v2  }
0x68: {  	[tilespmem:s7+$0xAF30] =	vst.add.f32.msk $0xffff, v1  }
0x69: {  	[tilespmem:s7+$0xAF20] =	vst.add.f32.msk $0xffff, v0;
	s9 =	simm.s32 $0x0;
	s20 =	rddreg [dreg:$0x7]  }
0x6a: {  	[hbm4b:s20+s9] =	stream.linear.scatter [tilespmem:s22], [sflag:$0x6], $0x6400, $0x38;
	[tilespmem:$0x1DB00] =	vst v63  }
.LBB2_6:
0x6b: {  	_ =	swait.ge [sflag:s21], $0x3400  }
0x6c: {  	[sflag:s21] =	ssyncset.done $0x0  }
0x6d: {  	[sflag:s21] =	ssyncadd.s32 $0xFFFFCC00  }
0x6e: {  	_ =	swait.ge [sflag:s21], $0x3000  }
0x6f: {  	[sflag:s21] =	ssyncset.done $0x0  }
0x70: {  	[sflag:s21] =	ssyncadd.s32 $0xFFFFD000  }
0x71: {  	s12 =	smul.u32 $0x320, s9;
	_ =	swait.ge [sflag:s23], $0x6400  }
0x72: {  	[sflag:s23] =	ssyncset.done $0x0  }
0x73: {  	s13 =	sadd.s32 $0x320, s12;
	[sflag:s23] =	ssyncadd.s32 $0xFFFF9C00  }
0x74: {  	[tilespmem:s18], [sflag:$0x1] =	stream.indirect.gather [hbm4b:s3+s17], $0x80, s13, s17, $0xb8;
	[tilespmem:$0x1DB00] =	vst v63  }
0x75: {  	s8 =	simm.s32 $0x7F00;
	s14 =	simm.s32 $0x1920;
	s7 =	sadd.s32 $0x388, s12  }
0x76: {  	[tilespmem:s8], [sflag:$0x1] =	stream.indirect.gather [hbm4b:s3+s19], $0x80, s7, s19, $0xb8;
	[tilespmem:$0x1DB00] =	vst v63  }
0x77: {  	v0 =	vld [tilespmem:s14+$0xFFFFFFE0];
	_ =	sdelay $0x1  }
0x78: {  	v1 =	vld [tilespmem:s14+$0x0]  }
0x79: {  	v2 =	vld [tilespmem:s14+$0x10];
	_ =	sdelay $0x1  }
0x7a: {  	s7 =	simm.s32 $0x0;
	v3 =	vld [tilespmem:s14+$0xFFFFFFF0];
	v4 =	vunpack.i.l.bf16.f32 v0  }
0x7b: {  	v0 =	vunpack.i.u.bf16.f32 v0;
	[tilespmem:s7+$0x11300] =	vst.add.f32.msk $0xffff, v4  }
0x7c: {  	v62 =	vunpack.i.u.bf16.f32 v1;
	[tilespmem:s7+$0x11310] =	vst.add.f32.msk $0xffff, v0  }
0x7d: {  	v63 =	vunpack.i.l.bf16.f32 v2;
	[tilespmem:s7+$0x11350] =	vst.add.f32.msk $0xffff, v62  }
0x7e: {  	v0 =	vunpack.i.l.bf16.f32 v1;
	[tilespmem:s7+$0x11360] =	vst.add.f32.msk $0xffff, v63  }
0x7f: {  	s15 =	simm.s32 $0x200;
	v2 =	vunpack.i.u.bf16.f32 v2;
	v1 =	vunpack.i.u.bf16.f32 v3;
	[tilespmem:s7+$0x11340] =	vst.add.f32.msk $0xffff, v0;
	v0 =	vunpack.i.l.bf16.f32 v3  }
.LBB2_7:
0x80: {  	p0 =	sne.s32 s15, $0x18E00  }
0x81: {  	[tilespmem:s7+$0x11370] =	vst.add.f32.msk $0xffff, v2;
	s14 =	sadd.s32 $0x40, s14;
	s8 =	smov.u32 s15;
	s15 =	sadd.s32 $0x200, s15  }
0x82: {  	[tilespmem:s7+$0x11330] =	vst.add.f32.msk $0xffff, v1  }
0x83: {  	[tilespmem:s7+$0x11320] =	vst.add.f32.msk $0xffff, v0  }
0x84: {  	v0 =	vld [tilespmem:s14+$0xFFFFFFE0];
	_ =	sdelay $0x1  }
0x85: {  	v1 =	vld [tilespmem:s14+$0x0];
	_ =	sdelay $0x1  }
0x86: {  	v3 =	vld [tilespmem:s14+$0x10]  }
0x87: {  	s7 =	sshra.s32 s8, $0x2;
	v4 =	vld [tilespmem:s14+$0xFFFFFFF0];
	v2 =	vunpack.i.l.bf16.f32 v0  }
.Ltmp2:
0x88: {  	v0 =	vunpack.i.u.bf16.f32 v0;
	[tilespmem:s7+$0x11300] =	vst.add.f32.msk $0xffff, v2;
	(pc) =	sbr.rel @p0 .LBB2_7-.Ltmp2, $4  }
0x89: {  	v2 =	vunpack.i.u.bf16.f32 v1;
	[tilespmem:s7+$0x11310] =	vst.add.f32.msk $0xffff, v0  }
0x8a: {  	v0 =	vunpack.i.l.bf16.f32 v1;
	[tilespmem:s7+$0x11350] =	vst.add.f32.msk $0xffff, v2  }
0x8b: {  	v2 =	vunpack.i.u.bf16.f32 v3;
	v3 =	vunpack.i.l.bf16.f32 v3;
	[tilespmem:s7+$0x11340] =	vst.add.f32.msk $0xffff, v0  }
0x8c: {  	v1 =	vunpack.i.u.bf16.f32 v4;
	v0 =	vunpack.i.l.bf16.f32 v4;
	[tilespmem:s7+$0x11360] =	vst.add.f32.msk $0xffff, v3  }
0x8d: {  	[tilespmem:s7+$0x11370] =	vst.add.f32.msk $0xffff, v2;
	s8 =	sadd.s32 s12, s10  }
0x8e: {  	[tilespmem:s7+$0x11330] =	vst.add.f32.msk $0xffff, v1;
	s8 =	sshll.u32 s8, $0x4  }
0x8f: {  	[tilespmem:s7+$0x11320] =	vst.add.f32.msk $0xffff, v0;
	s15 =	simm.s32 $0x0;
	s14 =	sadd.s32 s4, s8  }
0x90: {  	[hbm4b:s14+s15] =	stream.linear.scatter [tilespmem:s28], [sflag:$0x7], $0x6400, $0x38;
	[tilespmem:$0x1DB00] =	vst v63  }
0x91: {  	_ =	swait.ge [sflag:s26], $0x3400  }
0x92: {  	[sflag:s26] =	ssyncset.done $0x0  }
0x93: {  	[sflag:s26] =	ssyncadd.s32 $0xFFFFCC00  }
0x94: {  	_ =	swait.ge [sflag:s26], $0x3000  }
0x95: {  	[sflag:s26] =	ssyncset.done $0x0  }
0x96: {  	[sflag:s26] =	ssyncadd.s32 $0xFFFFD000  }
0x97: {  	_ =	swait.ge [sflag:s29], $0x6400  }
0x98: {  	[sflag:s29] =	ssyncset.done $0x0  }
0x99: {  	s14 =	sadd.s32 $0x3E8, s12;
	[sflag:s29] =	ssyncadd.s32 $0xFFFF9C00  }
0x9a: {  	[tilespmem:s22], [sflag:$0x2] =	stream.indirect.gather [hbm4b:s3+s17], $0x80, s14, s17, $0xb8;
	[tilespmem:$0x1DB00] =	vst v63  }
0x9b: {  	s20 =	sadd.s32 $0x450, s12;
	s7 =	simm.s32 $0x1920  }
0x9c: {  	[tilespmem:s24], [sflag:$0x2] =	stream.indirect.gather [hbm4b:s3+s19], $0x80, s20, s19, $0xb8;
	[tilespmem:$0x1DB00] =	vst v63  }
0x9d: {  	v0 =	vld [tilespmem:s7+$0xFFFFFFE0];
	_ =	sdelay $0x1  }
0x9e: {  	v1 =	vld [tilespmem:s7+$0x0]  }
0x9f: {  	v2 =	vld [tilespmem:s7+$0x10];
	_ =	sdelay $0x1  }
0xa0: {  	s15 =	simm.s32 $0x0;
	v3 =	vld [tilespmem:s7+$0xFFFFFFF0];
	v4 =	vunpack.i.l.bf16.f32 v0  }
0xa1: {  	v0 =	vunpack.i.u.bf16.f32 v0;
	[tilespmem:s15+$0x17700] =	vst.add.f32.msk $0xffff, v4  }
0xa2: {  	v62 =	vunpack.i.u.bf16.f32 v1;
	[tilespmem:s15+$0x17710] =	vst.add.f32.msk $0xffff, v0  }
0xa3: {  	v63 =	vunpack.i.l.bf16.f32 v2;
	[tilespmem:s15+$0x17750] =	vst.add.f32.msk $0xffff, v62  }
0xa4: {  	v0 =	vunpack.i.l.bf16.f32 v1;
	[tilespmem:s15+$0x17760] =	vst.add.f32.msk $0xffff, v63  }
0xa5: {  	s8 =	simm.s32 $0x200;
	v2 =	vunpack.i.u.bf16.f32 v2;
	v1 =	vunpack.i.u.bf16.f32 v3;
	[tilespmem:s15+$0x17740] =	vst.add.f32.msk $0xffff, v0;
	v0 =	vunpack.i.l.bf16.f32 v3  }
.LBB2_9:
0xa6: {  	p0 =	sne.s32 s8, $0x18E00  }
0xa7: {  	[tilespmem:s15+$0x17770] =	vst.add.f32.msk $0xffff, v2;
	s7 =	sadd.s32 $0x40, s7;
	s20 =	smov.u32 s8;
	s8 =	sadd.s32 $0x200, s8  }
0xa8: {  	[tilespmem:s15+$0x17730] =	vst.add.f32.msk $0xffff, v1  }
0xa9: {  	[tilespmem:s15+$0x17720] =	vst.add.f32.msk $0xffff, v0  }
0xaa: {  	v0 =	vld [tilespmem:s7+$0xFFFFFFE0];
	_ =	sdelay $0x1  }
0xab: {  	v1 =	vld [tilespmem:s7+$0x0];
	_ =	sdelay $0x1  }
0xac: {  	v3 =	vld [tilespmem:s7+$0x10]  }
0xad: {  	s15 =	sshra.s32 s20, $0x2;
	v4 =	vld [tilespmem:s7+$0xFFFFFFF0];
	v2 =	vunpack.i.l.bf16.f32 v0  }
.Ltmp3:
0xae: {  	v0 =	vunpack.i.u.bf16.f32 v0;
	[tilespmem:s15+$0x17700] =	vst.add.f32.msk $0xffff, v2;
	(pc) =	sbr.rel @p0 .LBB2_9-.Ltmp3, $4  }
0xaf: {  	v2 =	vunpack.i.u.bf16.f32 v1;
	[tilespmem:s15+$0x17710] =	vst.add.f32.msk $0xffff, v0  }
0xb0: {  	v0 =	vunpack.i.l.bf16.f32 v1;
	[tilespmem:s15+$0x17750] =	vst.add.f32.msk $0xffff, v2  }
0xb1: {  	v2 =	vunpack.i.u.bf16.f32 v3;
	v3 =	vunpack.i.l.bf16.f32 v3;
	[tilespmem:s15+$0x17740] =	vst.add.f32.msk $0xffff, v0  }
0xb2: {  	v1 =	vunpack.i.u.bf16.f32 v4;
	v0 =	vunpack.i.l.bf16.f32 v4;
	[tilespmem:s15+$0x17760] =	vst.add.f32.msk $0xffff, v3  }
0xb3: {  	[tilespmem:s15+$0x17770] =	vst.add.f32.msk $0xffff, v2;
	s7 =	sadd.s32 s12, s11  }
0xb4: {  	[tilespmem:s15+$0x17730] =	vst.add.f32.msk $0xffff, v1;
	s7 =	sshll.u32 s7, $0x4  }
0xb5: {  	[tilespmem:s15+$0x17720] =	vst.add.f32.msk $0xffff, v0;
	s8 =	simm.s32 $0x0;
	s7 =	sadd.s32 s4, s7  }
0xb6: {  	[hbm4b:s7+s8] =	stream.linear.scatter [tilespmem:s0], [sflag:$0x8], $0x6400, $0x38;
	[tilespmem:$0x1DB00] =	vst v63  }
0xb7: {  	_ =	swait.ge [sflag:s25], $0x3400  }
0xb8: {  	[sflag:s25] =	ssyncset.done $0x0  }
0xb9: {  	[sflag:s25] =	ssyncadd.s32 $0xFFFFCC00  }
0xba: {  	_ =	swait.ge [sflag:s25], $0x3000  }
0xbb: {  	[sflag:s25] =	ssyncset.done $0x0  }
0xbc: {  	[sflag:s25] =	ssyncadd.s32 $0xFFFFD000  }
0xbd: {  	_ =	swait.ge [sflag:s2], $0x6400  }
0xbe: {  	[sflag:s2] =	ssyncset.done $0x0  }
0xbf: {  	s15 =	sadd.s32 $0x4B0, s12;
	[sflag:s2] =	ssyncadd.s32 $0xFFFF9C00  }
0xc0: {  	[tilespmem:s28], [sflag:$0x3] =	stream.indirect.gather [hbm4b:s3+s17], $0x80, s15, s17, $0xb8;
	[tilespmem:$0x1DB00] =	vst v63  }
0xc1: {  	s20 =	sadd.s32 $0x518, s12;
	s7 =	simm.s32 $0x1920  }
0xc2: {  	[tilespmem:s30], [sflag:$0x3] =	stream.indirect.gather [hbm4b:s3+s19], $0x80, s20, s19, $0xb8;
	[tilespmem:$0x1DB00] =	vst v63  }
0xc3: {  	v0 =	vld [tilespmem:s7+$0xFFFFFFE0];
	_ =	sdelay $0x1  }
0xc4: {  	v1 =	vld [tilespmem:s7+$0x0]  }
0xc5: {  	v2 =	vld [tilespmem:s7+$0x10];
	_ =	sdelay $0x1  }
0xc6: {  	s15 =	simm.s32 $0x0;
	v3 =	vld [tilespmem:s7+$0xFFFFFFF0];
	v4 =	vunpack.i.l.bf16.f32 v0  }
0xc7: {  	v0 =	vunpack.i.u.bf16.f32 v0;
	[tilespmem:s15+$0x4B00] =	vst.add.f32.msk $0xffff, v4  }
0xc8: {  	v62 =	vunpack.i.u.bf16.f32 v1;
	[tilespmem:s15+$0x4B10] =	vst.add.f32.msk $0xffff, v0  }
0xc9: {  	v63 =	vunpack.i.l.bf16.f32 v2;
	[tilespmem:s15+$0x4B50] =	vst.add.f32.msk $0xffff, v62  }
0xca: {  	v0 =	vunpack.i.l.bf16.f32 v1;
	[tilespmem:s15+$0x4B60] =	vst.add.f32.msk $0xffff, v63  }
0xcb: {  	s8 =	simm.s32 $0x200;
	v2 =	vunpack.i.u.bf16.f32 v2;
	v1 =	vunpack.i.u.bf16.f32 v3;
	[tilespmem:s15+$0x4B40] =	vst.add.f32.msk $0xffff, v0;
	v0 =	vunpack.i.l.bf16.f32 v3  }
.LBB2_11:
0xcc: {  	p0 =	sne.s32 s8, $0x18E00  }
0xcd: {  	[tilespmem:s15+$0x4B70] =	vst.add.f32.msk $0xffff, v2;
	s7 =	sadd.s32 $0x40, s7;
	s20 =	smov.u32 s8;
	s8 =	sadd.s32 $0x200, s8  }
0xce: {  	[tilespmem:s15+$0x4B30] =	vst.add.f32.msk $0xffff, v1  }
0xcf: {  	[tilespmem:s15+$0x4B20] =	vst.add.f32.msk $0xffff, v0  }
0xd0: {  	v0 =	vld [tilespmem:s7+$0xFFFFFFE0];
	_ =	sdelay $0x1  }
0xd1: {  	v1 =	vld [tilespmem:s7+$0x0];
	_ =	sdelay $0x1  }
0xd2: {  	v3 =	vld [tilespmem:s7+$0x10]  }
0xd3: {  	s15 =	sshra.s32 s20, $0x2;
	v4 =	vld [tilespmem:s7+$0xFFFFFFF0];
	v2 =	vunpack.i.l.bf16.f32 v0  }
.Ltmp4:
0xd4: {  	v0 =	vunpack.i.u.bf16.f32 v0;
	[tilespmem:s15+$0x4B00] =	vst.add.f32.msk $0xffff, v2;
	(pc) =	sbr.rel @p0 .LBB2_11-.Ltmp4, $4  }
0xd5: {  	v2 =	vunpack.i.u.bf16.f32 v1;
	[tilespmem:s15+$0x4B10] =	vst.add.f32.msk $0xffff, v0  }
0xd6: {  	v0 =	vunpack.i.l.bf16.f32 v1;
	[tilespmem:s15+$0x4B50] =	vst.add.f32.msk $0xffff, v2  }
0xd7: {  	v2 =	vunpack.i.u.bf16.f32 v3;
	v3 =	vunpack.i.l.bf16.f32 v3;
	[tilespmem:s15+$0x4B40] =	vst.add.f32.msk $0xffff, v0  }
0xd8: {  	v1 =	vunpack.i.u.bf16.f32 v4;
	v0 =	vunpack.i.l.bf16.f32 v4;
	[tilespmem:s15+$0x4B60] =	vst.add.f32.msk $0xffff, v3  }
0xd9: {  	[tilespmem:s15+$0x4B70] =	vst.add.f32.msk $0xffff, v2;
	s7 =	sadd.s32 s6, s13  }
0xda: {  	[tilespmem:s15+$0x4B30] =	vst.add.f32.msk $0xffff, v1;
	s7 =	sshll.u32 s7, $0x4  }
0xdb: {  	[tilespmem:s15+$0x4B20] =	vst.add.f32.msk $0xffff, v0;
	s8 =	simm.s32 $0x0;
	s7 =	sadd.s32 s4, s7  }
0xdc: {  	[hbm4b:s7+s8] =	stream.linear.scatter [tilespmem:s18], [sflag:$0x5], $0x6400, $0x38;
	[tilespmem:$0x1DB00] =	vst v63  }
0xdd: {  	_ =	swait.ge [sflag:s31], $0x3400  }
0xde: {  	[sflag:s31] =	ssyncset.done $0x0  }
0xdf: {  	[sflag:s31] =	ssyncadd.s32 $0xFFFFCC00  }
0xe0: {  	_ =	swait.ge [sflag:s31], $0x3000  }
0xe1: {  	[sflag:s31] =	ssyncset.done $0x0  }
0xe2: {  	[sflag:s31] =	ssyncadd.s32 $0xFFFFD000  }
0xe3: {  	_ =	swait.ge [sflag:s1], $0x6400  }
0xe4: {  	[sflag:s1] =	ssyncset.done $0x0  }
0xe5: {  	s15 =	sadd.s32 $0x578, s12;
	[sflag:s1] =	ssyncadd.s32 $0xFFFF9C00  }
0xe6: {  	[tilespmem:s0], [sflag:$0x4] =	stream.indirect.gather [hbm4b:s3+s17], $0x80, s15, s17, $0xb8;
	[tilespmem:$0x1DB00] =	vst v63  }
0xe7: {  	s20 =	sadd.s32 $0x5E0, s12;
	s7 =	simm.s32 $0x1920  }
0xe8: {  	[tilespmem:s16], [sflag:$0x4] =	stream.indirect.gather [hbm4b:s3+s19], $0x80, s20, s19, $0xb8;
	[tilespmem:$0x1DB00] =	vst v63  }
0xe9: {  	v0 =	vld [tilespmem:s7+$0xFFFFFFE0];
	_ =	sdelay $0x1  }
0xea: {  	v1 =	vld [tilespmem:s7+$0x0]  }
0xeb: {  	v2 =	vld [tilespmem:s7+$0x10];
	_ =	sdelay $0x1  }
0xec: {  	s12 =	simm.s32 $0x0;
	v3 =	vld [tilespmem:s7+$0xFFFFFFF0];
	v4 =	vunpack.i.l.bf16.f32 v0  }
0xed: {  	v0 =	vunpack.i.u.bf16.f32 v0;
	[tilespmem:s12+$0xAF00] =	vst.add.f32.msk $0xffff, v4  }
0xee: {  	v62 =	vunpack.i.u.bf16.f32 v1;
	[tilespmem:s12+$0xAF10] =	vst.add.f32.msk $0xffff, v0  }
0xef: {  	v63 =	vunpack.i.l.bf16.f32 v2;
	[tilespmem:s12+$0xAF50] =	vst.add.f32.msk $0xffff, v62  }
0xf0: {  	v0 =	vunpack.i.l.bf16.f32 v1;
	[tilespmem:s12+$0xAF60] =	vst.add.f32.msk $0xffff, v63  }
0xf1: {  	s8 =	simm.s32 $0x200;
	v2 =	vunpack.i.u.bf16.f32 v2;
	v1 =	vunpack.i.u.bf16.f32 v3;
	[tilespmem:s12+$0xAF40] =	vst.add.f32.msk $0xffff, v0;
	v0 =	vunpack.i.l.bf16.f32 v3  }
.LBB2_13:
0xf2: {  	p0 =	sne.s32 s8, $0x18E00  }
0xf3: {  	[tilespmem:s12+$0xAF70] =	vst.add.f32.msk $0xffff, v2;
	s7 =	sadd.s32 $0x40, s7;
	s13 =	smov.u32 s8;
	s8 =	sadd.s32 $0x200, s8  }
0xf4: {  	[tilespmem:s12+$0xAF30] =	vst.add.f32.msk $0xffff, v1  }
0xf5: {  	[tilespmem:s12+$0xAF20] =	vst.add.f32.msk $0xffff, v0  }
0xf6: {  	v0 =	vld [tilespmem:s7+$0xFFFFFFE0];
	_ =	sdelay $0x1  }
0xf7: {  	v1 =	vld [tilespmem:s7+$0x0];
	_ =	sdelay $0x1  }
0xf8: {  	v3 =	vld [tilespmem:s7+$0x10]  }
0xf9: {  	s12 =	sshra.s32 s13, $0x2;
	v4 =	vld [tilespmem:s7+$0xFFFFFFF0];
	v2 =	vunpack.i.l.bf16.f32 v0  }
.Ltmp5:
0xfa: {  	v0 =	vunpack.i.u.bf16.f32 v0;
	[tilespmem:s12+$0xAF00] =	vst.add.f32.msk $0xffff, v2;
	(pc) =	sbr.rel @p0 .LBB2_13-.Ltmp5, $4  }
0xfb: {  	v2 =	vunpack.i.u.bf16.f32 v1;
	[tilespmem:s12+$0xAF10] =	vst.add.f32.msk $0xffff, v0  }
0xfc: {  	v0 =	vunpack.i.l.bf16.f32 v1;
	[tilespmem:s12+$0xAF50] =	vst.add.f32.msk $0xffff, v2  }
0xfd: {  	v2 =	vunpack.i.u.bf16.f32 v3;
	v3 =	vunpack.i.l.bf16.f32 v3;
	[tilespmem:s12+$0xAF40] =	vst.add.f32.msk $0xffff, v0  }
0xfe: {  	v1 =	vunpack.i.u.bf16.f32 v4;
	v0 =	vunpack.i.l.bf16.f32 v4;
	[tilespmem:s12+$0xAF60] =	vst.add.f32.msk $0xffff, v3  }
0xff: {  	s9 =	sadd.s32 $0x1, s9  }
0x100: {  	p0 =	sne.s32 s9, $0x7  }
.Ltmp6:
0x101: {  	_ = 	snop;
	(pc) =	sbr.rel @p0 .LBB2_6-.Ltmp6, $4  }
0x102: {  	[tilespmem:s12+$0xAF70] =	vst.add.f32.msk $0xffff, v2;
	s7 =	sadd.s32 s6, s14  }
0x103: {  	[tilespmem:s12+$0xAF30] =	vst.add.f32.msk $0xffff, v1;
	s7 =	sshll.u32 s7, $0x4  }
0x104: {  	[tilespmem:s12+$0xAF20] =	vst.add.f32.msk $0xffff, v0;
	s7 =	sadd.s32 s4, s7  }
0x105: {  	[hbm4b:s7+s5] =	stream.linear.scatter [tilespmem:s22], [sflag:$0x6], $0x6400, $0x38;
	[tilespmem:$0x1DB00] =	vst v63  }
0x106: {  	_ =	swait.ge [sflag:s21], $0x3400  }
0x107: {  	[sflag:s21] =	ssyncset.done $0x0  }
0x108: {  	[sflag:s21] =	ssyncadd.s32 $0xFFFFCC00  }
0x109: {  	_ =	swait.ge [sflag:s21], $0x3000  }
0x10a: {  	[sflag:s21] =	ssyncset.done $0x0  }
0x10b: {  	[sflag:s21] =	ssyncadd.s32 $0xFFFFD000  }
0x10c: {  	_ =	swait.ge [sflag:s23], $0x6400  }
0x10d: {  	[sflag:s23] =	ssyncset.done $0x0  }
0x10e: {  	s7 =	simm.s32 $0x1920;
	[sflag:s23] =	ssyncadd.s32 $0xFFFF9C00  }
0x10f: {  	v0 =	vld [tilespmem:s7+$0xFFFFFFE0];
	_ =	sdelay $0x1  }
0x110: {  	v1 =	vld [tilespmem:s7+$0x0]  }
0x111: {  	v2 =	vld [tilespmem:s7+$0x10];
	_ =	sdelay $0x1  }
0x112: {  	s9 =	simm.s32 $0x0;
	v3 =	vld [tilespmem:s7+$0xFFFFFFF0];
	v4 =	vunpack.i.l.bf16.f32 v0  }
0x113: {  	v0 =	vunpack.i.u.bf16.f32 v0;
	[tilespmem:s9+$0x11300] =	vst.add.f32.msk $0xffff, v4  }
0x114: {  	v62 =	vunpack.i.u.bf16.f32 v1;
	[tilespmem:s9+$0x11310] =	vst.add.f32.msk $0xffff, v0  }
0x115: {  	v63 =	vunpack.i.l.bf16.f32 v2;
	[tilespmem:s9+$0x11350] =	vst.add.f32.msk $0xffff, v62  }
0x116: {  	v0 =	vunpack.i.l.bf16.f32 v1;
	[tilespmem:s9+$0x11360] =	vst.add.f32.msk $0xffff, v63  }
0x117: {  	s8 =	simm.s32 $0x200;
	v2 =	vunpack.i.u.bf16.f32 v2;
	v1 =	vunpack.i.u.bf16.f32 v3;
	[tilespmem:s9+$0x11340] =	vst.add.f32.msk $0xffff, v0;
	v0 =	vunpack.i.l.bf16.f32 v3  }
.LBB2_16:
0x118: {  	p0 =	sne.s32 s8, $0x18E00  }
0x119: {  	[tilespmem:s9+$0x11370] =	vst.add.f32.msk $0xffff, v2;
	s7 =	sadd.s32 $0x40, s7;
	s12 =	smov.u32 s8;
	s8 =	sadd.s32 $0x200, s8  }
0x11a: {  	[tilespmem:s9+$0x11330] =	vst.add.f32.msk $0xffff, v1  }
0x11b: {  	[tilespmem:s9+$0x11320] =	vst.add.f32.msk $0xffff, v0  }
0x11c: {  	v0 =	vld [tilespmem:s7+$0xFFFFFFE0];
	_ =	sdelay $0x1  }
0x11d: {  	v1 =	vld [tilespmem:s7+$0x0];
	_ =	sdelay $0x1  }
0x11e: {  	v3 =	vld [tilespmem:s7+$0x10]  }
0x11f: {  	s9 =	sshra.s32 s12, $0x2;
	v4 =	vld [tilespmem:s7+$0xFFFFFFF0];
	v2 =	vunpack.i.l.bf16.f32 v0  }
.Ltmp7:
0x120: {  	v0 =	vunpack.i.u.bf16.f32 v0;
	[tilespmem:s9+$0x11300] =	vst.add.f32.msk $0xffff, v2;
	(pc) =	sbr.rel @p0 .LBB2_16-.Ltmp7, $4  }
0x121: {  	v2 =	vunpack.i.u.bf16.f32 v1;
	[tilespmem:s9+$0x11310] =	vst.add.f32.msk $0xffff, v0  }
0x122: {  	v0 =	vunpack.i.l.bf16.f32 v1;
	[tilespmem:s9+$0x11350] =	vst.add.f32.msk $0xffff, v2  }
0x123: {  	v2 =	vunpack.i.u.bf16.f32 v3;
	v3 =	vunpack.i.l.bf16.f32 v3;
	[tilespmem:s9+$0x11340] =	vst.add.f32.msk $0xffff, v0  }
0x124: {  	v1 =	vunpack.i.u.bf16.f32 v4;
	v0 =	vunpack.i.l.bf16.f32 v4;
	[tilespmem:s9+$0x11360] =	vst.add.f32.msk $0xffff, v3  }
0x125: {  	[tilespmem:s9+$0x11370] =	vst.add.f32.msk $0xffff, v2  }
0x126: {  	[tilespmem:s9+$0x11330] =	vst.add.f32.msk $0xffff, v1  }
0x127: {  	[tilespmem:s9+$0x11320] =	vst.add.f32.msk $0xffff, v0;
	s7 =	simm.s32 $0x0;
	s8 =	rddreg [dreg:$0x8]  }
0x128: {  	[hbm4b:s8+s7] =	stream.linear.scatter [tilespmem:s28], [sflag:$0x7], $0x6400, $0x38;
	[tilespmem:$0x1DB00] =	vst v63  }
0x129: {  	_ =	swait.ge [sflag:s26], $0x3400  }
0x12a: {  	[sflag:s26] =	ssyncset.done $0x0  }
0x12b: {  	[sflag:s26] =	ssyncadd.s32 $0xFFFFCC00  }
0x12c: {  	_ =	swait.ge [sflag:s26], $0x3000  }
0x12d: {  	[sflag:s26] =	ssyncset.done $0x0  }
0x12e: {  	[sflag:s26] =	ssyncadd.s32 $0xFFFFD000  }
0x12f: {  	_ =	swait.ge [sflag:s29], $0x6400  }
0x130: {  	[sflag:s29] =	ssyncset.done $0x0  }
0x131: {  	s7 =	simm.s32 $0x1920;
	[sflag:s29] =	ssyncadd.s32 $0xFFFF9C00  }
0x132: {  	v0 =	vld [tilespmem:s7+$0xFFFFFFE0];
	_ =	sdelay $0x1  }
0x133: {  	v1 =	vld [tilespmem:s7+$0x0]  }
0x134: {  	v2 =	vld [tilespmem:s7+$0x10];
	_ =	sdelay $0x1  }
0x135: {  	s9 =	simm.s32 $0x0;
	v3 =	vld [tilespmem:s7+$0xFFFFFFF0];
	v4 =	vunpack.i.l.bf16.f32 v0  }
0x136: {  	v0 =	vunpack.i.u.bf16.f32 v0;
	[tilespmem:s9+$0x17700] =	vst.add.f32.msk $0xffff, v4  }
0x137: {  	v62 =	vunpack.i.u.bf16.f32 v1;
	[tilespmem:s9+$0x17710] =	vst.add.f32.msk $0xffff, v0  }
0x138: {  	v63 =	vunpack.i.l.bf16.f32 v2;
	[tilespmem:s9+$0x17750] =	vst.add.f32.msk $0xffff, v62  }
0x139: {  	v0 =	vunpack.i.l.bf16.f32 v1;
	[tilespmem:s9+$0x17760] =	vst.add.f32.msk $0xffff, v63  }
0x13a: {  	s8 =	simm.s32 $0x200;
	v2 =	vunpack.i.u.bf16.f32 v2;
	v1 =	vunpack.i.u.bf16.f32 v3;
	[tilespmem:s9+$0x17740] =	vst.add.f32.msk $0xffff, v0;
	v0 =	vunpack.i.l.bf16.f32 v3  }
.LBB2_18:
0x13b: {  	p0 =	sne.s32 s8, $0x18E00  }
0x13c: {  	[tilespmem:s9+$0x17770] =	vst.add.f32.msk $0xffff, v2;
	s7 =	sadd.s32 $0x40, s7;
	s12 =	smov.u32 s8;
	s8 =	sadd.s32 $0x200, s8  }
0x13d: {  	[tilespmem:s9+$0x17730] =	vst.add.f32.msk $0xffff, v1  }
0x13e: {  	[tilespmem:s9+$0x17720] =	vst.add.f32.msk $0xffff, v0  }
0x13f: {  	v0 =	vld [tilespmem:s7+$0xFFFFFFE0];
	_ =	sdelay $0x1  }
0x140: {  	v1 =	vld [tilespmem:s7+$0x0];
	_ =	sdelay $0x1  }
0x141: {  	v3 =	vld [tilespmem:s7+$0x10]  }
0x142: {  	s9 =	sshra.s32 s12, $0x2;
	v4 =	vld [tilespmem:s7+$0xFFFFFFF0];
	v2 =	vunpack.i.l.bf16.f32 v0  }
.Ltmp8:
0x143: {  	v0 =	vunpack.i.u.bf16.f32 v0;
	[tilespmem:s9+$0x17700] =	vst.add.f32.msk $0xffff, v2;
	(pc) =	sbr.rel @p0 .LBB2_18-.Ltmp8, $4  }
0x144: {  	v2 =	vunpack.i.u.bf16.f32 v1;
	[tilespmem:s9+$0x17710] =	vst.add.f32.msk $0xffff, v0  }
0x145: {  	v0 =	vunpack.i.l.bf16.f32 v1;
	[tilespmem:s9+$0x17750] =	vst.add.f32.msk $0xffff, v2  }
0x146: {  	v2 =	vunpack.i.u.bf16.f32 v3;
	v3 =	vunpack.i.l.bf16.f32 v3;
	[tilespmem:s9+$0x17740] =	vst.add.f32.msk $0xffff, v0  }
0x147: {  	v1 =	vunpack.i.u.bf16.f32 v4;
	v0 =	vunpack.i.l.bf16.f32 v4;
	[tilespmem:s9+$0x17760] =	vst.add.f32.msk $0xffff, v3  }
0x148: {  	[tilespmem:s9+$0x17770] =	vst.add.f32.msk $0xffff, v2  }
0x149: {  	[tilespmem:s9+$0x17730] =	vst.add.f32.msk $0xffff, v1  }
0x14a: {  	[tilespmem:s9+$0x17720] =	vst.add.f32.msk $0xffff, v0;
	s7 =	rddreg [dreg:$0x9]  }
0x14b: {  	[hbm4b:s7+s5] =	stream.linear.scatter [tilespmem:s0], [sflag:$0x8], $0x6400, $0x38;
	[tilespmem:$0x1DB00] =	vst v63  }
0x14c: {  	_ =	swait.ge [sflag:s2], $0x6400  }
0x14d: {  	[sflag:s2] =	ssyncset.done $0x0  }
0x14e: {  	[sflag:s2] =	ssyncadd.s32 $0xFFFF9C00  }
0x14f: {  	_ =	swait.ge [sflag:s1], $0x6400  }
0x150: {  	s8 =	rddreg [dreg:$0xb]  }
0x151: {  	s20 =	rddreg [dreg:$0xa];
	s8 =	sadd.s32 $0x1, s8  }
0x152: {  	p0 =	sne.s32 s8, s20  }
.Ltmp9:
0x153: {  	_ = 	snop;
	(pc) =	sbr.rel @p0 .LBB2_1-.Ltmp9, $3  }
0x154: {  	_ =	sdelay $0x1  }
0x155: {  	[sflag:s1] =	ssyncset.done $0x0  }
0x156: {  	[sflag:s1] =	ssyncadd.s32 $0xFFFF9C00  }
0x157: {  	_ =	sfence.sel $0x180000  }
0x158: {  	[bflag:$0x0] =	sbarrier.arrive $0xFFFF  }
0x159: {  	_ =	strace $0x90000047  }
0x15a: {  	s0 =	stileid.u32;
	[bflag:$0x2] =	sbarrier.arrive $0xFFFF  }
0x15b: {  	p0 =	sne.s32 s0, $0x0;
	s0 =	rddreg [dreg:$0x4]  }
0x15c: {  	s0 =	sadd.s32 @!p0 $0x100000, s0  }
0x15d: {  	[sflag:s0] =	ssyncadd.tile.s32 @!p0 $0x1;
	_ =	shalt  }
.Lfunc_end2:
_tile_overlayer_lowered:
.L_overlay_start_2:
0x15e: {  	(tag) =	ssettag $0x2  }
0x15f: {  	s0 =	rddreg [dreg:$0x0];
	s2 =	stileid.u32  }
0x160: {  	s1 =	rddreg [dreg:$0x1];
	p0 =	sne.s32 s2, $0x0  }
0x161: {  	s3 =	rddreg [dreg:$0x2];
	[bflag:$0x3] =	sbarrier.arrive $0xFFFF;
	s2 =	simm.s32 @!p0 $0x1C09  }
0x162: {  	[timem:s3], [sflag:s2] =	dma.local @!p0 [hbm:s0], s1  }
0x163: {  	s0 =	simm.s32 @!p0 $0x9  }
0x164: {  	_ =	swait.ge @!p0 [sflag:s0], s1  }
0x165: {  	s1 =	ssub.s32 @!p0 $0x0, s1;
	[sflag:s0] =	ssyncset.done @!p0 $0x0  }
0x166: {  	[sflag:s0] =	ssyncadd.s32 @!p0 s1  }
0x167: {  	[bflag:$0x3] =	sbarrier.arrive $0xFFFF  }
0x168: {  	_ =	shalt  }

</sc_bundles>
